<compile_context>
chip_gen: v7x
topology: tpu7x:2x2x1
jax: 0.10.2.dev20260603
libtpu: 0.0.44.dev20260713+nightly
codegen_flags: <defaults>
</compile_context>

<pallas_src>
import functools

import jax
import jax.numpy as jnp
from jax import lax
from jax.experimental import pallas as pl
from jax.experimental.pallas import tpu as pltpu
from jax.experimental.pallas import tpu_sc as plsc

V, D, B, N_NEG = 100000, 64, 16384, 5
NC, NS, L = 2, 16, 16
NW = NC * NS
BPW = B // NW
SUB = 128
NSUB = BPW // SUB
NGRP = SUB // L
NSCORE = 1 + N_NEG
NROW = 2 + N_NEG


def _sc_scores(center, context, neg_t, center_w, context_w):
    mesh = plsc.VectorSubcoreMesh(core_axis_name="c", subcore_axis_name="s")

    @functools.partial(
        pl.kernel,
        out_type=jax.ShapeDtypeStruct((NW * NSCORE, BPW), jnp.float32),
        mesh=mesh,
        compiler_params=pltpu.CompilerParams(
            needs_layout_passes=False, use_tc_tiling_on_sc=False),
        scratch_types=[
            [[pltpu.VMEM((SUB,), jnp.int32) for _ in range(NROW)]
             for _ in range(2)],
            [[pltpu.VMEM((SUB, D), jnp.float32) for _ in range(NROW)]
             for _ in range(2)],
            pltpu.VMEM((NSCORE, BPW), jnp.float32),
            [pltpu.SemaphoreType.DMA for _ in range(2)],
        ],
    )
    def scores_kernel(center_h, context_h, negt_h, cw_h, xw_h, out_h,
                      idx, rows_buf, scores, sem):
        wid = lax.axis_index("s") * NC + lax.axis_index("c")
        base = wid * BPW

        def issue(c, slot):
            boff = base + c * SUB
            srcs = [center_h.at[pl.ds(boff, SUB)],
                    context_h.at[pl.ds(boff, SUB)]]
            for j in range(N_NEG):
                srcs.append(negt_h.at[pl.ds(j * B + boff, SUB)])
            copies = [pltpu.async_copy(s, idx[slot][r], sem[slot])
                      for r, s in enumerate(srcs)]
            for cp in copies:
                cp.wait()
            tables = [cw_h] + [xw_h] * (NROW - 1)
            return [pltpu.async_copy(t.at[idx[slot][r]], rows_buf[slot][r],
                                     sem[slot])
                    for r, t in enumerate(tables)]

        def compute(c, slot):
            c_rows, x_rows = rows_buf[slot][0], rows_buf[slot][1]
            n_rows = rows_buf[slot][2:]

            def group_body(g, carry):
                rows = g * L + lax.iota(jnp.int32, L)

                def d_body(d, accs):
                    col = jnp.full((L,), d, jnp.int32)
                    cv = plsc.load_gather(c_rows, [rows, col])
                    xv = plsc.load_gather(x_rows, [rows, col])
                    new = [accs[0] + cv * xv]
                    for j in range(N_NEG):
                        nv = plsc.load_gather(n_rows[j], [rows, col])
                        new.append(accs[1 + j] + cv * nv)
                    return tuple(new)

                z = jnp.zeros((L,), jnp.float32)
                accs = lax.fori_loop(0, D, d_body, (z,) * NSCORE, unroll=2)
                off = c * SUB + g * L
                scores[0, pl.ds(off, L)] = accs[0]
                for j in range(N_NEG):
                    scores[1 + j, pl.ds(off, L)] = -accs[1 + j]
                return carry

            lax.fori_loop(0, NGRP, group_body, 0)

        handles = {0: issue(0, 0), 1: issue(1, 1)}
        for c in range(NSUB):
            slot = c % 2
            for cp in handles.pop(c):
                cp.wait()
            compute(c, slot)
            if c + 2 < NSUB:
                handles[c + 2] = issue(c + 2, slot)
        pltpu.sync_copy(scores, out_h.at[pl.ds(wid * NSCORE, NSCORE)])

    return scores_kernel(center, context, neg_t, center_w, context_w)


def _tc_loss(scores2d):
    def body(s_ref, o_ref):
        o_ref[0, 0] = -jnp.sum(jax.nn.log_sigmoid(s_ref[...])) / B

    out = pl.pallas_call(
        body,
        out_shape=jax.ShapeDtypeStruct((1, 1), jnp.float32),
        out_specs=pl.BlockSpec(memory_space=pltpu.SMEM),
    )(scores2d)
    return out[0, 0]


def kernel(center, context, negatives, center_w, context_w):
    center = center.astype(jnp.int32)
    context = context.astype(jnp.int32)
    neg_t = negatives.astype(jnp.int32).T.reshape(-1)
    scores = _sc_scores(center, context, neg_t, center_w, context_w)
    return _tc_loss(scores)

# --- scband reference (transcript-rebuilt; emitter-appended) ---
"""Pipeline reference for scband-skip-gram-ns-88304527606681 (READ-ONLY COPY).

The authoritative reference and input builder live on the scoring server;
editing this copy changes nothing except your own understanding.
"""

import jax, jax.numpy as jnp
import numpy as np

V, D, B, N_NEG = 100000, 64, 16384, 5

def setup_inputs(seed: int = 0) -> dict:
    key = jax.random.key(seed)
    k1, k2, k3, k4, k5 = jax.random.split(key, 5)
    center = jax.random.randint(k1, (B,), 0, V)
    context = jax.random.randint(k2, (B,), 0, V)
    negatives = jax.random.randint(k3, (B, N_NEG), 0, V)
    init_range = 0.5 / D
    center_w = jax.random.uniform(k4, (V, D), minval=-init_range, maxval=init_range, dtype=jnp.float32)
    # torch module zero-inits context_emb; we use small random values so the
    # computation (and backward) is numerically non-trivial.
    context_w = jax.random.normal(k5, (V, D), dtype=jnp.float32) * 0.01
    return {"center": center, "context": context, "negatives": negatives,
            "center_w": center_w, "context_w": context_w}

def reference(center, context, negatives, center_w, context_w):
    # center_vec = self.center_emb(center)
    center_vec = jnp.take(center_w, center, axis=0)          # (B, D)
    # context_vec = self.context_emb(context)
    context_vec = jnp.take(context_w, context, axis=0)       # (B, D)
    pos_score = jnp.sum(center_vec * context_vec, axis=1)    # (B,)
    pos_loss = jax.nn.log_sigmoid(pos_score)                 # (B,)
    # neg_vec = self.context_emb(negatives)
    neg_vec = jnp.take(context_w, negatives, axis=0)         # (B, N, D)
    # torch.bmm(neg_vec, center_vec.unsqueeze(2)).squeeze(2)
    neg_score = jnp.einsum('bnd,bd->bn', neg_vec, center_vec)  # (B, N)
    neg_loss = jax.nn.log_sigmoid(-neg_score).sum(axis=1)    # (B,)
    return -(pos_loss + neg_loss).mean()

if __name__ == "__main__":
    import jax
    _d = setup_inputs()
    print(jax.jit(kernel)(*tuple(_d.values())))

</pallas_src>

<mosaic_0001>
#map = affine_map<(d0, d1) -> (0)>
#map1 = affine_map<(d0, d1) -> (0, 0)>
module attributes {stable_mosaic.version = 14 : i64} {
  func.func @scores_kernel(%arg0: i32, %arg1: i32, %arg2: memref<16384xi32, #tpu.memory_space<hbm>>, %arg3: memref<16384xi32, #tpu.memory_space<hbm>>, %arg4: memref<81920xi32, #tpu.memory_space<hbm>>, %arg5: memref<100000x64xf32, #tpu.memory_space<hbm>>, %arg6: memref<100000x64xf32, #tpu.memory_space<hbm>>, %arg7: memref<192x512xf32, #tpu.memory_space<hbm>>, %arg8: memref<128xi32, #tpu.memory_space<vmem>>, %arg9: memref<128xi32, #tpu.memory_space<vmem>>, %arg10: memref<128xi32, #tpu.memory_space<vmem>>, %arg11: memref<128xi32, #tpu.memory_space<vmem>>, %arg12: memref<128xi32, #tpu.memory_space<vmem>>, %arg13: memref<128xi32, #tpu.memory_space<vmem>>, %arg14: memref<128xi32, #tpu.memory_space<vmem>>, %arg15: memref<128xi32, #tpu.memory_space<vmem>>, %arg16: memref<128xi32, #tpu.memory_space<vmem>>, %arg17: memref<128xi32, #tpu.memory_space<vmem>>, %arg18: memref<128xi32, #tpu.memory_space<vmem>>, %arg19: memref<128xi32, #tpu.memory_space<vmem>>, %arg20: memref<128xi32, #tpu.memory_space<vmem>>, %arg21: memref<128xi32, #tpu.memory_space<vmem>>, %arg22: memref<128x64xf32, #tpu.memory_space<vmem>>, %arg23: memref<128x64xf32, #tpu.memory_space<vmem>>, %arg24: memref<128x64xf32, #tpu.memory_space<vmem>>, %arg25: memref<128x64xf32, #tpu.memory_space<vmem>>, %arg26: memref<128x64xf32, #tpu.memory_space<vmem>>, %arg27: memref<128x64xf32, #tpu.memory_space<vmem>>, %arg28: memref<128x64xf32, #tpu.memory_space<vmem>>, %arg29: memref<128x64xf32, #tpu.memory_space<vmem>>, %arg30: memref<128x64xf32, #tpu.memory_space<vmem>>, %arg31: memref<128x64xf32, #tpu.memory_space<vmem>>, %arg32: memref<128x64xf32, #tpu.memory_space<vmem>>, %arg33: memref<128x64xf32, #tpu.memory_space<vmem>>, %arg34: memref<128x64xf32, #tpu.memory_space<vmem>>, %arg35: memref<128x64xf32, #tpu.memory_space<vmem>>, %arg36: memref<6x512xf32, #tpu.memory_space<vmem>>, %arg37: memref<!tpu.dma_semaphore, #tpu.memory_space<semaphore_mem>>, %arg38: memref<!tpu.dma_semaphore, #tpu.memory_space<semaphore_mem>>) attributes {dimension_semantics = [#tpu.dimension_semantics<core_parallel>, #tpu.dimension_semantics<subcore_parallel>], iteration_bounds = array<i64: 2, 16>, scalar_prefetch = 0 : i64, scratch_operands = 31 : i64, tpu.core_type = #tpu.core_type<sc_vector_subcore>, window_params = [{transform_indices = #map}, {transform_indices = #map}, {transform_indices = #map}, {transform_indices = #map1}, {transform_indices = #map1}, {transform_indices = #map1}]} {
    %mul3A = arith.constant 2 : i32
    %mul3A_0 = arith.muli %arg1, %mul3A : i32
    %add3A = arith.addi %mul3A_0, %arg0 : i32
    %mul3A_1 = arith.constant 512 : i32
    %mul3A_2 = arith.muli %add3A, %mul3A_1 : i32
    %add3A_3 = arith.constant 0 : i32
    %add3A_4 = arith.addi %mul3A_2, %add3A_3 : i32
    %add3A_5 = arith.constant 0 : i32
    %add3A_6 = arith.addi %add3A_5, %add3A_4 : i32
    %add3A_7 = arith.constant 16384 : i32
    %add3A_8 = arith.addi %add3A_7, %add3A_4 : i32
    %add3A_9 = arith.constant 32768 : i32
    %add3A_10 = arith.addi %add3A_9, %add3A_4 : i32
    %add3A_11 = arith.constant 49152 : i32
    %add3A_12 = arith.addi %add3A_11, %add3A_4 : i32
    %add3A_13 = arith.constant 65536 : i32
    %add3A_14 = arith.addi %add3A_13, %add3A_4 : i32
    %dma_start3A = tpu.memref_slice %arg2[%add3A_4] : memref<16384xi32, #tpu.memory_space<hbm>> -> memref<128xi32, #tpu.memory_space<hbm>>
    %dma_start3A_15 = tpu.memref_slice %arg2[%add3A_4] : memref<16384xi32, #tpu.memory_space<hbm>> -> memref<128xi32, #tpu.memory_space<hbm>>
    tpu.enqueue_dma source(%dma_start3A_15 : memref<128xi32, #tpu.memory_space<hbm>>) target(%arg8 : memref<128xi32, #tpu.memory_space<vmem>>) target_semaphore(%arg37 : memref<!tpu.dma_semaphore, #tpu.memory_space<semaphore_mem>>)
    %dma_start3A_16 = tpu.memref_slice %arg3[%add3A_4] : memref<16384xi32, #tpu.memory_space<hbm>> -> memref<128xi32, #tpu.memory_space<hbm>>
    %dma_start3A_17 = tpu.memref_slice %arg3[%add3A_4] : memref<16384xi32, #tpu.memory_space<hbm>> -> memref<128xi32, #tpu.memory_space<hbm>>
    tpu.enqueue_dma source(%dma_start3A_17 : memref<128xi32, #tpu.memory_space<hbm>>) target(%arg9 : memref<128xi32, #tpu.memory_space<vmem>>) target_semaphore(%arg37 : memref<!tpu.dma_semaphore, #tpu.memory_space<semaphore_mem>>)
    %dma_start3A_18 = tpu.memref_slice %arg4[%add3A_6] : memref<81920xi32, #tpu.memory_space<hbm>> -> memref<128xi32, #tpu.memory_space<hbm>>
    %dma_start3A_19 = tpu.memref_slice %arg4[%add3A_6] : memref<81920xi32, #tpu.memory_space<hbm>> -> memref<128xi32, #tpu.memory_space<hbm>>
    tpu.enqueue_dma source(%dma_start3A_19 : memref<128xi32, #tpu.memory_space<hbm>>) target(%arg10 : memref<128xi32, #tpu.memory_space<vmem>>) target_semaphore(%arg37 : memref<!tpu.dma_semaphore, #tpu.memory_space<semaphore_mem>>)
    %dma_start3A_20 = tpu.memref_slice %arg4[%add3A_8] : memref<81920xi32, #tpu.memory_space<hbm>> -> memref<128xi32, #tpu.memory_space<hbm>>
    %dma_start3A_21 = tpu.memref_slice %arg4[%add3A_8] : memref<81920xi32, #tpu.memory_space<hbm>> -> memref<128xi32, #tpu.memory_space<hbm>>
    tpu.enqueue_dma source(%dma_start3A_21 : memref<128xi32, #tpu.memory_space<hbm>>) target(%arg11 : memref<128xi32, #tpu.memory_space<vmem>>) target_semaphore(%arg37 : memref<!tpu.dma_semaphore, #tpu.memory_space<semaphore_mem>>)
    %dma_start3A_22 = tpu.memref_slice %arg4[%add3A_10] : memref<81920xi32, #tpu.memory_space<hbm>> -> memref<128xi32, #tpu.memory_space<hbm>>
    %dma_start3A_23 = tpu.memref_slice %arg4[%add3A_10] : memref<81920xi32, #tpu.memory_space<hbm>> -> memref<128xi32, #tpu.memory_space<hbm>>
    tpu.enqueue_dma source(%dma_start3A_23 : memref<128xi32, #tpu.memory_space<hbm>>) target(%arg12 : memref<128xi32, #tpu.memory_space<vmem>>) target_semaphore(%arg37 : memref<!tpu.dma_semaphore, #tpu.memory_space<semaphore_mem>>)
    %dma_start3A_24 = tpu.memref_slice %arg4[%add3A_12] : memref<81920xi32, #tpu.memory_space<hbm>> -> memref<128xi32, #tpu.memory_space<hbm>>
    %dma_start3A_25 = tpu.memref_slice %arg4[%add3A_12] : memref<81920xi32, #tpu.memory_space<hbm>> -> memref<128xi32, #tpu.memory_space<hbm>>
    tpu.enqueue_dma source(%dma_start3A_25 : memref<128xi32, #tpu.memory_space<hbm>>) target(%arg13 : memref<128xi32, #tpu.memory_space<vmem>>) target_semaphore(%arg37 : memref<!tpu.dma_semaphore, #tpu.memory_space<semaphore_mem>>)
    %dma_start3A_26 = tpu.memref_slice %arg4[%add3A_14] : memref<81920xi32, #tpu.memory_space<hbm>> -> memref<128xi32, #tpu.memory_space<hbm>>
    %dma_start3A_27 = tpu.memref_slice %arg4[%add3A_14] : memref<81920xi32, #tpu.memory_space<hbm>> -> memref<128xi32, #tpu.memory_space<hbm>>
    tpu.enqueue_dma source(%dma_start3A_27 : memref<128xi32, #tpu.memory_space<hbm>>) target(%arg14 : memref<128xi32, #tpu.memory_space<vmem>>) target_semaphore(%arg37 : memref<!tpu.dma_semaphore, #tpu.memory_space<semaphore_mem>>)
    %dma_wait3A = tpu.memref_slice %arg2[%add3A_4] : memref<16384xi32, #tpu.memory_space<hbm>> -> memref<128xi32, #tpu.memory_space<hbm>>
    %dma_wait3A_28 = tpu.memref_slice %arg2[%add3A_4] : memref<16384xi32, #tpu.memory_space<hbm>> -> memref<128xi32, #tpu.memory_space<hbm>>
    tpu.wait_dma2 semaphore(%arg37 : memref<!tpu.dma_semaphore, #tpu.memory_space<semaphore_mem>>) src(%dma_wait3A_28 : memref<128xi32, #tpu.memory_space<hbm>>) dst(%arg8 : memref<128xi32, #tpu.memory_space<vmem>>)
    %dma_wait3A_29 = tpu.memref_slice %arg3[%add3A_4] : memref<16384xi32, #tpu.memory_space<hbm>> -> memref<128xi32, #tpu.memory_space<hbm>>
    %dma_wait3A_30 = tpu.memref_slice %arg3[%add3A_4] : memref<16384xi32, #tpu.memory_space<hbm>> -> memref<128xi32, #tpu.memory_space<hbm>>
    tpu.wait_dma2 semaphore(%arg37 : memref<!tpu.dma_semaphore, #tpu.memory_space<semaphore_mem>>) src(%dma_wait3A_30 : memref<128xi32, #tpu.memory_space<hbm>>) dst(%arg9 : memref<128xi32, #tpu.memory_space<vmem>>)
    %dma_wait3A_31 = tpu.memref_slice %arg4[%add3A_6] : memref<81920xi32, #tpu.memory_space<hbm>> -> memref<128xi32, #tpu.memory_space<hbm>>
    %dma_wait3A_32 = tpu.memref_slice %arg4[%add3A_6] : memref<81920xi32, #tpu.memory_space<hbm>> -> memref<128xi32, #tpu.memory_space<hbm>>
    tpu.wait_dma2 semaphore(%arg37 : memref<!tpu.dma_semaphore, #tpu.memory_space<semaphore_mem>>) src(%dma_wait3A_32 : memref<128xi32, #tpu.memory_space<hbm>>) dst(%arg10 : memref<128xi32, #tpu.memory_space<vmem>>)
    %dma_wait3A_33 = tpu.memref_slice %arg4[%add3A_8] : memref<81920xi32, #tpu.memory_space<hbm>> -> memref<128xi32, #tpu.memory_space<hbm>>
    %dma_wait3A_34 = tpu.memref_slice %arg4[%add3A_8] : memref<81920xi32, #tpu.memory_space<hbm>> -> memref<128xi32, #tpu.memory_space<hbm>>
    tpu.wait_dma2 semaphore(%arg37 : memref<!tpu.dma_semaphore, #tpu.memory_space<semaphore_mem>>) src(%dma_wait3A_34 : memref<128xi32, #tpu.memory_space<hbm>>) dst(%arg11 : memref<128xi32, #tpu.memory_space<vmem>>)
    %dma_wait3A_35 = tpu.memref_slice %arg4[%add3A_10] : memref<81920xi32, #tpu.memory_space<hbm>> -> memref<128xi32, #tpu.memory_space<hbm>>
    %dma_wait3A_36 = tpu.memref_slice %arg4[%add3A_10] : memref<81920xi32, #tpu.memory_space<hbm>> -> memref<128xi32, #tpu.memory_space<hbm>>
    tpu.wait_dma2 semaphore(%arg37 : memref<!tpu.dma_semaphore, #tpu.memory_space<semaphore_mem>>) src(%dma_wait3A_36 : memref<128xi32, #tpu.memory_space<hbm>>) dst(%arg12 : memref<128xi32, #tpu.memory_space<vmem>>)
    %dma_wait3A_37 = tpu.memref_slice %arg4[%add3A_12] : memref<81920xi32, #tpu.memory_space<hbm>> -> memref<128xi32, #tpu.memory_space<hbm>>
    %dma_wait3A_38 = tpu.memref_slice %arg4[%add3A_12] : memref<81920xi32, #tpu.memory_space<hbm>> -> memref<128xi32, #tpu.memory_space<hbm>>
    tpu.wait_dma2 semaphore(%arg37 : memref<!tpu.dma_semaphore, #tpu.memory_space<semaphore_mem>>) src(%dma_wait3A_38 : memref<128xi32, #tpu.memory_space<hbm>>) dst(%arg13 : memref<128xi32, #tpu.memory_space<vmem>>)
    %dma_wait3A_39 = tpu.memref_slice %arg4[%add3A_14] : memref<81920xi32, #tpu.memory_space<hbm>> -> memref<128xi32, #tpu.memory_space<hbm>>
    %dma_wait3A_40 = tpu.memref_slice %arg4[%add3A_14] : memref<81920xi32, #tpu.memory_space<hbm>> -> memref<128xi32, #tpu.memory_space<hbm>>
    tpu.wait_dma2 semaphore(%arg37 : memref<!tpu.dma_semaphore, #tpu.memory_space<semaphore_mem>>) src(%dma_wait3A_40 : memref<128xi32, #tpu.memory_space<hbm>>) dst(%arg14 : memref<128xi32, #tpu.memory_space<vmem>>)
    %dma_start3A_41 = arith.constant 0 : i32
    %dma_start3A_42 = arith.constant 0 : i32
    %dma_start3A_43 = tpu.memref_slice %arg5[%dma_start3A_41, %dma_start3A_42] : memref<100000x64xf32, #tpu.memory_space<hbm>> -> memref<100000x64xf32, #tpu.memory_space<hbm>>
    tpu.enqueue_indirect_dma source(%dma_start3A_43 : memref<100000x64xf32, #tpu.memory_space<hbm>>) target(%arg22 : memref<128x64xf32, #tpu.memory_space<vmem>>) offsets(%arg8 : memref<128xi32, #tpu.memory_space<vmem>>) semaphore(%arg37 : memref<!tpu.dma_semaphore, #tpu.memory_space<semaphore_mem>>)
    %dma_start3A_44 = arith.constant 0 : i32
    %dma_start3A_45 = arith.constant 0 : i32
    %dma_start3A_46 = tpu.memref_slice %arg6[%dma_start3A_44, %dma_start3A_45] : memref<100000x64xf32, #tpu.memory_space<hbm>> -> memref<100000x64xf32, #tpu.memory_space<hbm>>
    tpu.enqueue_indirect_dma source(%dma_start3A_46 : memref<100000x64xf32, #tpu.memory_space<hbm>>) target(%arg23 : memref<128x64xf32, #tpu.memory_space<vmem>>) offsets(%arg9 : memref<128xi32, #tpu.memory_space<vmem>>) semaphore(%arg37 : memref<!tpu.dma_semaphore, #tpu.memory_space<semaphore_mem>>)
    %dma_start3A_47 = arith.constant 0 : i32
    %dma_start3A_48 = arith.constant 0 : i32
    %dma_start3A_49 = tpu.memref_slice %arg6[%dma_start3A_47, %dma_start3A_48] : memref<100000x64xf32, #tpu.memory_space<hbm>> -> memref<100000x64xf32, #tpu.memory_space<hbm>>
    tpu.enqueue_indirect_dma source(%dma_start3A_49 : memref<100000x64xf32, #tpu.memory_space<hbm>>) target(%arg24 : memref<128x64xf32, #tpu.memory_space<vmem>>) offsets(%arg10 : memref<128xi32, #tpu.memory_space<vmem>>) semaphore(%arg37 : memref<!tpu.dma_semaphore, #tpu.memory_space<semaphore_mem>>)
    %dma_start3A_50 = arith.constant 0 : i32
    %dma_start3A_51 = arith.constant 0 : i32
    %dma_start3A_52 = tpu.memref_slice %arg6[%dma_start3A_50, %dma_start3A_51] : memref<100000x64xf32, #tpu.memory_space<hbm>> -> memref<100000x64xf32, #tpu.memory_space<hbm>>
    tpu.enqueue_indirect_dma source(%dma_start3A_52 : memref<100000x64xf32, #tpu.memory_space<hbm>>) target(%arg25 : memref<128x64xf32, #tpu.memory_space<vmem>>) offsets(%arg11 : memref<128xi32, #tpu.memory_space<vmem>>) semaphore(%arg37 : memref<!tpu.dma_semaphore, #tpu.memory_space<semaphore_mem>>)
    %dma_start3A_53 = arith.constant 0 : i32
    %dma_start3A_54 = arith.constant 0 : i32
    %dma_start3A_55 = tpu.memref_slice %arg6[%dma_start3A_53, %dma_start3A_54] : memref<100000x64xf32, #tpu.memory_space<hbm>> -> memref<100000x64xf32, #tpu.memory_space<hbm>>
    tpu.enqueue_indirect_dma source(%dma_start3A_55 : memref<100000x64xf32, #tpu.memory_space<hbm>>) target(%arg26 : memref<128x64xf32, #tpu.memory_space<vmem>>) offsets(%arg12 : memref<128xi32, #tpu.memory_space<vmem>>) semaphore(%arg37 : memref<!tpu.dma_semaphore, #tpu.memory_space<semaphore_mem>>)
    %dma_start3A_56 = arith.constant 0 : i32
    %dma_start3A_57 = arith.constant 0 : i32
    %dma_start3A_58 = tpu.memref_slice %arg6[%dma_start3A_56, %dma_start3A_57] : memref<100000x64xf32, #tpu.memory_space<hbm>> -> memref<100000x64xf32, #tpu.memory_space<hbm>>
    tpu.enqueue_indirect_dma source(%dma_start3A_58 : memref<100000x64xf32, #tpu.memory_space<hbm>>) target(%arg27 : memref<128x64xf32, #tpu.memory_space<vmem>>) offsets(%arg13 : memref<128xi32, #tpu.memory_space<vmem>>) semaphore(%arg37 : memref<!tpu.dma_semaphore, #tpu.memory_space<semaphore_mem>>)
    %dma_start3A_59 = arith.constant 0 : i32
    %dma_start3A_60 = arith.constant 0 : i32
    %dma_start3A_61 = tpu.memref_slice %arg6[%dma_start3A_59, %dma_start3A_60] : memref<100000x64xf32, #tpu.memory_space<hbm>> -> memref<100000x64xf32, #tpu.memory_space<hbm>>
    tpu.enqueue_indirect_dma source(%dma_start3A_61 : memref<100000x64xf32, #tpu.memory_space<hbm>>) target(%arg28 : memref<128x64xf32, #tpu.memory_space<vmem>>) offsets(%arg14 : memref<128xi32, #tpu.memory_space<vmem>>) semaphore(%arg37 : memref<!tpu.dma_semaphore, #tpu.memory_space<semaphore_mem>>)
    %add3A_62 = arith.constant 128 : i32
    %add3A_63 = arith.addi %mul3A_2, %add3A_62 : i32
    %add3A_64 = arith.constant 0 : i32
    %add3A_65 = arith.addi %add3A_64, %add3A_63 : i32
    %add3A_66 = arith.constant 16384 : i32
    %add3A_67 = arith.addi %add3A_66, %add3A_63 : i32
    %add3A_68 = arith.constant 32768 : i32
    %add3A_69 = arith.addi %add3A_68, %add3A_63 : i32
    %add3A_70 = arith.constant 49152 : i32
    %add3A_71 = arith.addi %add3A_70, %add3A_63 : i32
    %add3A_72 = arith.constant 65536 : i32
    %add3A_73 = arith.addi %add3A_72, %add3A_63 : i32
    %dma_start3A_74 = tpu.memref_slice %arg2[%add3A_63] : memref<16384xi32, #tpu.memory_space<hbm>> -> memref<128xi32, #tpu.memory_space<hbm>>
    %dma_start3A_75 = tpu.memref_slice %arg2[%add3A_63] : memref<16384xi32, #tpu.memory_space<hbm>> -> memref<128xi32, #tpu.memory_space<hbm>>
    tpu.enqueue_dma source(%dma_start3A_75 : memref<128xi32, #tpu.memory_space<hbm>>) target(%arg15 : memref<128xi32, #tpu.memory_space<vmem>>) target_semaphore(%arg38 : memref<!tpu.dma_semaphore, #tpu.memory_space<semaphore_mem>>)
    %dma_start3A_76 = tpu.memref_slice %arg3[%add3A_63] : memref<16384xi32, #tpu.memory_space<hbm>> -> memref<128xi32, #tpu.memory_space<hbm>>
    %dma_start3A_77 = tpu.memref_slice %arg3[%add3A_63] : memref<16384xi32, #tpu.memory_space<hbm>> -> memref<128xi32, #tpu.memory_space<hbm>>
    tpu.enqueue_dma source(%dma_start3A_77 : memref<128xi32, #tpu.memory_space<hbm>>) target(%arg16 : memref<128xi32, #tpu.memory_space<vmem>>) target_semaphore(%arg38 : memref<!tpu.dma_semaphore, #tpu.memory_space<semaphore_mem>>)
    %dma_start3A_78 = tpu.memref_slice %arg4[%add3A_65] : memref<81920xi32, #tpu.memory_space<hbm>> -> memref<128xi32, #tpu.memory_space<hbm>>
    %dma_start3A_79 = tpu.memref_slice %arg4[%add3A_65] : memref<81920xi32, #tpu.memory_space<hbm>> -> memref<128xi32, #tpu.memory_space<hbm>>
    tpu.enqueue_dma source(%dma_start3A_79 : memref<128xi32, #tpu.memory_space<hbm>>) target(%arg17 : memref<128xi32, #tpu.memory_space<vmem>>) target_semaphore(%arg38 : memref<!tpu.dma_semaphore, #tpu.memory_space<semaphore_mem>>)
    %dma_start3A_80 = tpu.memref_slice %arg4[%add3A_67] : memref<81920xi32, #tpu.memory_space<hbm>> -> memref<128xi32, #tpu.memory_space<hbm>>
    %dma_start3A_81 = tpu.memref_slice %arg4[%add3A_67] : memref<81920xi32, #tpu.memory_space<hbm>> -> memref<128xi32, #tpu.memory_space<hbm>>
    tpu.enqueue_dma source(%dma_start3A_81 : memref<128xi32, #tpu.memory_space<hbm>>) target(%arg18 : memref<128xi32, #tpu.memory_space<vmem>>) target_semaphore(%arg38 : memref<!tpu.dma_semaphore, #tpu.memory_space<semaphore_mem>>)
    %dma_start3A_82 = tpu.memref_slice %arg4[%add3A_69] : memref<81920xi32, #tpu.memory_space<hbm>> -> memref<128xi32, #tpu.memory_space<hbm>>
    %dma_start3A_83 = tpu.memref_slice %arg4[%add3A_69] : memref<81920xi32, #tpu.memory_space<hbm>> -> memref<128xi32, #tpu.memory_space<hbm>>
    tpu.enqueue_dma source(%dma_start3A_83 : memref<128xi32, #tpu.memory_space<hbm>>) target(%arg19 : memref<128xi32, #tpu.memory_space<vmem>>) target_semaphore(%arg38 : memref<!tpu.dma_semaphore, #tpu.memory_space<semaphore_mem>>)
    %dma_start3A_84 = tpu.memref_slice %arg4[%add3A_71] : memref<81920xi32, #tpu.memory_space<hbm>> -> memref<128xi32, #tpu.memory_space<hbm>>
    %dma_start3A_85 = tpu.memref_slice %arg4[%add3A_71] : memref<81920xi32, #tpu.memory_space<hbm>> -> memref<128xi32, #tpu.memory_space<hbm>>
    tpu.enqueue_dma source(%dma_start3A_85 : memref<128xi32, #tpu.memory_space<hbm>>) target(%arg20 : memref<128xi32, #tpu.memory_space<vmem>>) target_semaphore(%arg38 : memref<!tpu.dma_semaphore, #tpu.memory_space<semaphore_mem>>)
    %dma_start3A_86 = tpu.memref_slice %arg4[%add3A_73] : memref<81920xi32, #tpu.memory_space<hbm>> -> memref<128xi32, #tpu.memory_space<hbm>>
    %dma_start3A_87 = tpu.memref_slice %arg4[%add3A_73] : memref<81920xi32, #tpu.memory_space<hbm>> -> memref<128xi32, #tpu.memory_space<hbm>>
    tpu.enqueue_dma source(%dma_start3A_87 : memref<128xi32, #tpu.memory_space<hbm>>) target(%arg21 : memref<128xi32, #tpu.memory_space<vmem>>) target_semaphore(%arg38 : memref<!tpu.dma_semaphore, #tpu.memory_space<semaphore_mem>>)
    %dma_wait3A_88 = tpu.memref_slice %arg2[%add3A_63] : memref<16384xi32, #tpu.memory_space<hbm>> -> memref<128xi32, #tpu.memory_space<hbm>>
    %dma_wait3A_89 = tpu.memref_slice %arg2[%add3A_63] : memref<16384xi32, #tpu.memory_space<hbm>> -> memref<128xi32, #tpu.memory_space<hbm>>
    tpu.wait_dma2 semaphore(%arg38 : memref<!tpu.dma_semaphore, #tpu.memory_space<semaphore_mem>>) src(%dma_wait3A_89 : memref<128xi32, #tpu.memory_space<hbm>>) dst(%arg15 : memref<128xi32, #tpu.memory_space<vmem>>)
    %dma_wait3A_90 = tpu.memref_slice %arg3[%add3A_63] : memref<16384xi32, #tpu.memory_space<hbm>> -> memref<128xi32, #tpu.memory_space<hbm>>
    %dma_wait3A_91 = tpu.memref_slice %arg3[%add3A_63] : memref<16384xi32, #tpu.memory_space<hbm>> -> memref<128xi32, #tpu.memory_space<hbm>>
    tpu.wait_dma2 semaphore(%arg38 : memref<!tpu.dma_semaphore, #tpu.memory_space<semaphore_mem>>) src(%dma_wait3A_91 : memref<128xi32, #tpu.memory_space<hbm>>) dst(%arg16 : memref<128xi32, #tpu.memory_space<vmem>>)
    %dma_wait3A_92 = tpu.memref_slice %arg4[%add3A_65] : memref<81920xi32, #tpu.memory_space<hbm>> -> memref<128xi32, #tpu.memory_space<hbm>>
    %dma_wait3A_93 = tpu.memref_slice %arg4[%add3A_65] : memref<81920xi32, #tpu.memory_space<hbm>> -> memref<128xi32, #tpu.memory_space<hbm>>
    tpu.wait_dma2 semaphore(%arg38 : memref<!tpu.dma_semaphore, #tpu.memory_space<semaphore_mem>>) src(%dma_wait3A_93 : memref<128xi32, #tpu.memory_space<hbm>>) dst(%arg17 : memref<128xi32, #tpu.memory_space<vmem>>)
    %dma_wait3A_94 = tpu.memref_slice %arg4[%add3A_67] : memref<81920xi32, #tpu.memory_space<hbm>> -> memref<128xi32, #tpu.memory_space<hbm>>
    %dma_wait3A_95 = tpu.memref_slice %arg4[%add3A_67] : memref<81920xi32, #tpu.memory_space<hbm>> -> memref<128xi32, #tpu.memory_space<hbm>>
    tpu.wait_dma2 semaphore(%arg38 : memref<!tpu.dma_semaphore, #tpu.memory_space<semaphore_mem>>) src(%dma_wait3A_95 : memref<128xi32, #tpu.memory_space<hbm>>) dst(%arg18 : memref<128xi32, #tpu.memory_space<vmem>>)
    %dma_wait3A_96 = tpu.memref_slice %arg4[%add3A_69] : memref<81920xi32, #tpu.memory_space<hbm>> -> memref<128xi32, #tpu.memory_space<hbm>>
    %dma_wait3A_97 = tpu.memref_slice %arg4[%add3A_69] : memref<81920xi32, #tpu.memory_space<hbm>> -> memref<128xi32, #tpu.memory_space<hbm>>
    tpu.wait_dma2 semaphore(%arg38 : memref<!tpu.dma_semaphore, #tpu.memory_space<semaphore_mem>>) src(%dma_wait3A_97 : memref<128xi32, #tpu.memory_space<hbm>>) dst(%arg19 : memref<128xi32, #tpu.memory_space<vmem>>)
    %dma_wait3A_98 = tpu.memref_slice %arg4[%add3A_71] : memref<81920xi32, #tpu.memory_space<hbm>> -> memref<128xi32, #tpu.memory_space<hbm>>
    %dma_wait3A_99 = tpu.memref_slice %arg4[%add3A_71] : memref<81920xi32, #tpu.memory_space<hbm>> -> memref<128xi32, #tpu.memory_space<hbm>>
    tpu.wait_dma2 semaphore(%arg38 : memref<!tpu.dma_semaphore, #tpu.memory_space<semaphore_mem>>) src(%dma_wait3A_99 : memref<128xi32, #tpu.memory_space<hbm>>) dst(%arg20 : memref<128xi32, #tpu.memory_space<vmem>>)
    %dma_wait3A_100 = tpu.memref_slice %arg4[%add3A_73] : memref<81920xi32, #tpu.memory_space<hbm>> -> memref<128xi32, #tpu.memory_space<hbm>>
    %dma_wait3A_101 = tpu.memref_slice %arg4[%add3A_73] : memref<81920xi32, #tpu.memory_space<hbm>> -> memref<128xi32, #tpu.memory_space<hbm>>
    tpu.wait_dma2 semaphore(%arg38 : memref<!tpu.dma_semaphore, #tpu.memory_space<semaphore_mem>>) src(%dma_wait3A_101 : memref<128xi32, #tpu.memory_space<hbm>>) dst(%arg21 : memref<128xi32, #tpu.memory_space<vmem>>)
    %dma_start3A_102 = arith.constant 0 : i32
    %dma_start3A_103 = arith.constant 0 : i32
    %dma_start3A_104 = tpu.memref_slice %arg5[%dma_start3A_102, %dma_start3A_103] : memref<100000x64xf32, #tpu.memory_space<hbm>> -> memref<100000x64xf32, #tpu.memory_space<hbm>>
    tpu.enqueue_indirect_dma source(%dma_start3A_104 : memref<100000x64xf32, #tpu.memory_space<hbm>>) target(%arg29 : memref<128x64xf32, #tpu.memory_space<vmem>>) offsets(%arg15 : memref<128xi32, #tpu.memory_space<vmem>>) semaphore(%arg38 : memref<!tpu.dma_semaphore, #tpu.memory_space<semaphore_mem>>)
    %dma_start3A_105 = arith.constant 0 : i32
    %dma_start3A_106 = arith.constant 0 : i32
    %dma_start3A_107 = tpu.memref_slice %arg6[%dma_start3A_105, %dma_start3A_106] : memref<100000x64xf32, #tpu.memory_space<hbm>> -> memref<100000x64xf32, #tpu.memory_space<hbm>>
    tpu.enqueue_indirect_dma source(%dma_start3A_107 : memref<100000x64xf32, #tpu.memory_space<hbm>>) target(%arg30 : memref<128x64xf32, #tpu.memory_space<vmem>>) offsets(%arg16 : memref<128xi32, #tpu.memory_space<vmem>>) semaphore(%arg38 : memref<!tpu.dma_semaphore, #tpu.memory_space<semaphore_mem>>)
    %dma_start3A_108 = arith.constant 0 : i32
    %dma_start3A_109 = arith.constant 0 : i32
    %dma_start3A_110 = tpu.memref_slice %arg6[%dma_start3A_108, %dma_start3A_109] : memref<100000x64xf32, #tpu.memory_space<hbm>> -> memref<100000x64xf32, #tpu.memory_space<hbm>>
    tpu.enqueue_indirect_dma source(%dma_start3A_110 : memref<100000x64xf32, #tpu.memory_space<hbm>>) target(%arg31 : memref<128x64xf32, #tpu.memory_space<vmem>>) offsets(%arg17 : memref<128xi32, #tpu.memory_space<vmem>>) semaphore(%arg38 : memref<!tpu.dma_semaphore, #tpu.memory_space<semaphore_mem>>)
    %dma_start3A_111 = arith.constant 0 : i32
    %dma_start3A_112 = arith.constant 0 : i32
    %dma_start3A_113 = tpu.memref_slice %arg6[%dma_start3A_111, %dma_start3A_112] : memref<100000x64xf32, #tpu.memory_space<hbm>> -> memref<100000x64xf32, #tpu.memory_space<hbm>>
    tpu.enqueue_indirect_dma source(%dma_start3A_113 : memref<100000x64xf32, #tpu.memory_space<hbm>>) target(%arg32 : memref<128x64xf32, #tpu.memory_space<vmem>>) offsets(%arg18 : memref<128xi32, #tpu.memory_space<vmem>>) semaphore(%arg38 : memref<!tpu.dma_semaphore, #tpu.memory_space<semaphore_mem>>)
    %dma_start3A_114 = arith.constant 0 : i32
    %dma_start3A_115 = arith.constant 0 : i32
    %dma_start3A_116 = tpu.memref_slice %arg6[%dma_start3A_114, %dma_start3A_115] : memref<100000x64xf32, #tpu.memory_space<hbm>> -> memref<100000x64xf32, #tpu.memory_space<hbm>>
    tpu.enqueue_indirect_dma source(%dma_start3A_116 : memref<100000x64xf32, #tpu.memory_space<hbm>>) target(%arg33 : memref<128x64xf32, #tpu.memory_space<vmem>>) offsets(%arg19 : memref<128xi32, #tpu.memory_space<vmem>>) semaphore(%arg38 : memref<!tpu.dma_semaphore, #tpu.memory_space<semaphore_mem>>)
    %dma_start3A_117 = arith.constant 0 : i32
    %dma_start3A_118 = arith.constant 0 : i32
    %dma_start3A_119 = tpu.memref_slice %arg6[%dma_start3A_117, %dma_start3A_118] : memref<100000x64xf32, #tpu.memory_space<hbm>> -> memref<100000x64xf32, #tpu.memory_space<hbm>>
    tpu.enqueue_indirect_dma source(%dma_start3A_119 : memref<100000x64xf32, #tpu.memory_space<hbm>>) target(%arg34 : memref<128x64xf32, #tpu.memory_space<vmem>>) offsets(%arg20 : memref<128xi32, #tpu.memory_space<vmem>>) semaphore(%arg38 : memref<!tpu.dma_semaphore, #tpu.memory_space<semaphore_mem>>)
    %dma_start3A_120 = arith.constant 0 : i32
    %dma_start3A_121 = arith.constant 0 : i32
    %dma_start3A_122 = tpu.memref_slice %arg6[%dma_start3A_120, %dma_start3A_121] : memref<100000x64xf32, #tpu.memory_space<hbm>> -> memref<100000x64xf32, #tpu.memory_space<hbm>>
    tpu.enqueue_indirect_dma source(%dma_start3A_122 : memref<100000x64xf32, #tpu.memory_space<hbm>>) target(%arg35 : memref<128x64xf32, #tpu.memory_space<vmem>>) offsets(%arg21 : memref<128xi32, #tpu.memory_space<vmem>>) semaphore(%arg38 : memref<!tpu.dma_semaphore, #tpu.memory_space<semaphore_mem>>)
    %dma_wait3A_123 = arith.constant 0 : i32
    %dma_wait3A_124 = arith.constant 0 : i32
    %dma_wait3A_125 = tpu.memref_slice %arg5[%dma_wait3A_123, %dma_wait3A_124] : memref<100000x64xf32, #tpu.memory_space<hbm>> -> memref<100000x64xf32, #tpu.memory_space<hbm>>
    tpu.wait_indirect_dma semaphore(%arg37 : memref<!tpu.dma_semaphore, #tpu.memory_space<semaphore_mem>>) src(%dma_wait3A_125 : memref<100000x64xf32, #tpu.memory_space<hbm>>) dst(%arg22 : memref<128x64xf32, #tpu.memory_space<vmem>>)
    %dma_wait3A_126 = arith.constant 0 : i32
    %dma_wait3A_127 = arith.constant 0 : i32
    %dma_wait3A_128 = tpu.memref_slice %arg6[%dma_wait3A_126, %dma_wait3A_127] : memref<100000x64xf32, #tpu.memory_space<hbm>> -> memref<100000x64xf32, #tpu.memory_space<hbm>>
    tpu.wait_indirect_dma semaphore(%arg37 : memref<!tpu.dma_semaphore, #tpu.memory_space<semaphore_mem>>) src(%dma_wait3A_128 : memref<100000x64xf32, #tpu.memory_space<hbm>>) dst(%arg23 : memref<128x64xf32, #tpu.memory_space<vmem>>)
    %dma_wait3A_129 = arith.constant 0 : i32
    %dma_wait3A_130 = arith.constant 0 : i32
    %dma_wait3A_131 = tpu.memref_slice %arg6[%dma_wait3A_129, %dma_wait3A_130] : memref<100000x64xf32, #tpu.memory_space<hbm>> -> memref<100000x64xf32, #tpu.memory_space<hbm>>
    tpu.wait_indirect_dma semaphore(%arg37 : memref<!tpu.dma_semaphore, #tpu.memory_space<semaphore_mem>>) src(%dma_wait3A_131 : memref<100000x64xf32, #tpu.memory_space<hbm>>) dst(%arg24 : memref<128x64xf32, #tpu.memory_space<vmem>>)
    %dma_wait3A_132 = arith.constant 0 : i32
    %dma_wait3A_133 = arith.constant 0 : i32
    %dma_wait3A_134 = tpu.memref_slice %arg6[%dma_wait3A_132, %dma_wait3A_133] : memref<100000x64xf32, #tpu.memory_space<hbm>> -> memref<100000x64xf32, #tpu.memory_space<hbm>>
    tpu.wait_indirect_dma semaphore(%arg37 : memref<!tpu.dma_semaphore, #tpu.memory_space<semaphore_mem>>) src(%dma_wait3A_134 : memref<100000x64xf32, #tpu.memory_space<hbm>>) dst(%arg25 : memref<128x64xf32, #tpu.memory_space<vmem>>)
    %dma_wait3A_135 = arith.constant 0 : i32
    %dma_wait3A_136 = arith.constant 0 : i32
    %dma_wait3A_137 = tpu.memref_slice %arg6[%dma_wait3A_135, %dma_wait3A_136] : memref<100000x64xf32, #tpu.memory_space<hbm>> -> memref<100000x64xf32, #tpu.memory_space<hbm>>
    tpu.wait_indirect_dma semaphore(%arg37 : memref<!tpu.dma_semaphore, #tpu.memory_space<semaphore_mem>>) src(%dma_wait3A_137 : memref<100000x64xf32, #tpu.memory_space<hbm>>) dst(%arg26 : memref<128x64xf32, #tpu.memory_space<vmem>>)
    %dma_wait3A_138 = arith.constant 0 : i32
    %dma_wait3A_139 = arith.constant 0 : i32
    %dma_wait3A_140 = tpu.memref_slice %arg6[%dma_wait3A_138, %dma_wait3A_139] : memref<100000x64xf32, #tpu.memory_space<hbm>> -> memref<100000x64xf32, #tpu.memory_space<hbm>>
    tpu.wait_indirect_dma semaphore(%arg37 : memref<!tpu.dma_semaphore, #tpu.memory_space<semaphore_mem>>) src(%dma_wait3A_140 : memref<100000x64xf32, #tpu.memory_space<hbm>>) dst(%arg27 : memref<128x64xf32, #tpu.memory_space<vmem>>)
    %dma_wait3A_141 = arith.constant 0 : i32
    %dma_wait3A_142 = arith.constant 0 : i32
    %dma_wait3A_143 = tpu.memref_slice %arg6[%dma_wait3A_141, %dma_wait3A_142] : memref<100000x64xf32, #tpu.memory_space<hbm>> -> memref<100000x64xf32, #tpu.memory_space<hbm>>
    tpu.wait_indirect_dma semaphore(%arg37 : memref<!tpu.dma_semaphore, #tpu.memory_space<semaphore_mem>>) src(%dma_wait3A_143 : memref<100000x64xf32, #tpu.memory_space<hbm>>) dst(%arg28 : memref<128x64xf32, #tpu.memory_space<vmem>>)
    %scan3A = arith.constant 0 : i32
    %scan3A_144 = arith.constant 0 : i32
    %scan3A_145 = arith.constant 8 : i32
    %scan3A_146 = arith.addi %scan3A_144, %scan3A_145 : i32
    %scan3A_147 = arith.constant 1 : i32
    scf.for %scan3A_354 = %scan3A_144 to %scan3A_146 step %scan3A_147  : i32 {
      %mul3A_355 = arith.constant 16 : i32
      %mul3A_356 = arith.muli %scan3A_354, %mul3A_355 : i32
      %iota3A = tpu.iota {dimensions = array<i32: 0>} : vector<16xi32>
      %add3A_357 = vector.broadcast %mul3A_356 : i32 to vector<16xi32>
      %add3A_358 = arith.addi %add3A_357, %iota3A : vector<16xi32>
      %broadcast_in_dim3A = arith.constant 0.000000e+00 : f32
      %broadcast_in_dim3A_359 = vector.broadcast %broadcast_in_dim3A : f32 to vector<16xf32>
      %scan3A_360 = arith.constant 0 : i32
      %scan3A_361 = arith.constant 64 : i32
      %scan3A_362 = arith.addi %scan3A_360, %scan3A_361 : i32
      %scan3A_363 = arith.constant 2 : i32
      %scan3A_364:6 = scf.for %scan3A_407 = %scan3A_360 to %scan3A_362 step %scan3A_363 iter_args(%scan3A_408 = %broadcast_in_dim3A_359, %scan3A_409 = %broadcast_in_dim3A_359, %scan3A_410 = %broadcast_in_dim3A_359, %scan3A_411 = %broadcast_in_dim3A_359, %scan3A_412 = %broadcast_in_dim3A_359, %scan3A_413 = %broadcast_in_dim3A_359) -> (vector<16xf32>, vector<16xf32>, vector<16xf32>, vector<16xf32>, vector<16xf32>, vector<16xf32>)  : i32 {
        %broadcast_in_dim3A_414 = vector.broadcast %scan3A_407 : i32 to vector<16xi32>
        %gather3A = tpu.vector_load_idx %arg22[%add3A_358, %broadcast_in_dim3A_414] : memref<128x64xf32, #tpu.memory_space<vmem>>[vector<16xi32>, vector<16xi32>], vector<16xf32>,
        %gather3A_415 = tpu.vector_load_idx %arg23[%add3A_358, %broadcast_in_dim3A_414] : memref<128x64xf32, #tpu.memory_space<vmem>>[vector<16xi32>, vector<16xi32>], vector<16xf32>,
        %mul3A_416 = arith.mulf %gather3A, %gather3A_415 : vector<16xf32>
        %add3A_417 = arith.addf %scan3A_408, %mul3A_416 : vector<16xf32>
        %gather3A_418 = tpu.vector_load_idx %arg24[%add3A_358, %broadcast_in_dim3A_414] : memref<128x64xf32, #tpu.memory_space<vmem>>[vector<16xi32>, vector<16xi32>], vector<16xf32>,
        %mul3A_419 = arith.mulf %gather3A, %gather3A_418 : vector<16xf32>
        %add3A_420 = arith.addf %scan3A_409, %mul3A_419 : vector<16xf32>
        %gather3A_421 = tpu.vector_load_idx %arg25[%add3A_358, %broadcast_in_dim3A_414] : memref<128x64xf32, #tpu.memory_space<vmem>>[vector<16xi32>, vector<16xi32>], vector<16xf32>,
        %mul3A_422 = arith.mulf %gather3A, %gather3A_421 : vector<16xf32>
        %add3A_423 = arith.addf %scan3A_410, %mul3A_422 : vector<16xf32>
        %gather3A_424 = tpu.vector_load_idx %arg26[%add3A_358, %broadcast_in_dim3A_414] : memref<128x64xf32, #tpu.memory_space<vmem>>[vector<16xi32>, vector<16xi32>], vector<16xf32>,
        %mul3A_425 = arith.mulf %gather3A, %gather3A_424 : vector<16xf32>
        %add3A_426 = arith.addf %scan3A_411, %mul3A_425 : vector<16xf32>
        %gather3A_427 = tpu.vector_load_idx %arg27[%add3A_358, %broadcast_in_dim3A_414] : memref<128x64xf32, #tpu.memory_space<vmem>>[vector<16xi32>, vector<16xi32>], vector<16xf32>,
        %mul3A_428 = arith.mulf %gather3A, %gather3A_427 : vector<16xf32>
        %add3A_429 = arith.addf %scan3A_412, %mul3A_428 : vector<16xf32>
        %gather3A_430 = tpu.vector_load_idx %arg28[%add3A_358, %broadcast_in_dim3A_414] : memref<128x64xf32, #tpu.memory_space<vmem>>[vector<16xi32>, vector<16xi32>], vector<16xf32>,
        %mul3A_431 = arith.mulf %gather3A, %gather3A_430 : vector<16xf32>
        %add3A_432 = arith.addf %scan3A_413, %mul3A_431 : vector<16xf32>
        %scan3A_433 = arith.constant 1 : i32
        %scan3A_434 = arith.addi %scan3A_407, %scan3A_433 : i32
        %broadcast_in_dim3A_435 = vector.broadcast %scan3A_434 : i32 to vector<16xi32>
        %gather3A_436 = tpu.vector_load_idx %arg22[%add3A_358, %broadcast_in_dim3A_435] : memref<128x64xf32, #tpu.memory_space<vmem>>[vector<16xi32>, vector<16xi32>], vector<16xf32>,
        %gather3A_437 = tpu.vector_load_idx %arg23[%add3A_358, %broadcast_in_dim3A_435] : memref<128x64xf32, #tpu.memory_space<vmem>>[vector<16xi32>, vector<16xi32>], vector<16xf32>,
        %mul3A_438 = arith.mulf %gather3A_436, %gather3A_437 : vector<16xf32>
        %add3A_439 = arith.addf %add3A_417, %mul3A_438 : vector<16xf32>
        %gather3A_440 = tpu.vector_load_idx %arg24[%add3A_358, %broadcast_in_dim3A_435] : memref<128x64xf32, #tpu.memory_space<vmem>>[vector<16xi32>, vector<16xi32>], vector<16xf32>,
        %mul3A_441 = arith.mulf %gather3A_436, %gather3A_440 : vector<16xf32>
        %add3A_442 = arith.addf %add3A_420, %mul3A_441 : vector<16xf32>
        %gather3A_443 = tpu.vector_load_idx %arg25[%add3A_358, %broadcast_in_dim3A_435] : memref<128x64xf32, #tpu.memory_space<vmem>>[vector<16xi32>, vector<16xi32>], vector<16xf32>,
        %mul3A_444 = arith.mulf %gather3A_436, %gather3A_443 : vector<16xf32>
        %add3A_445 = arith.addf %add3A_423, %mul3A_444 : vector<16xf32>
        %gather3A_446 = tpu.vector_load_idx %arg26[%add3A_358, %broadcast_in_dim3A_435] : memref<128x64xf32, #tpu.memory_space<vmem>>[vector<16xi32>, vector<16xi32>], vector<16xf32>,
        %mul3A_447 = arith.mulf %gather3A_436, %gather3A_446 : vector<16xf32>
        %add3A_448 = arith.addf %add3A_426, %mul3A_447 : vector<16xf32>
        %gather3A_449 = tpu.vector_load_idx %arg27[%add3A_358, %broadcast_in_dim3A_435] : memref<128x64xf32, #tpu.memory_space<vmem>>[vector<16xi32>, vector<16xi32>], vector<16xf32>,
        %mul3A_450 = arith.mulf %gather3A_436, %gather3A_449 : vector<16xf32>
        %add3A_451 = arith.addf %add3A_429, %mul3A_450 : vector<16xf32>
        %gather3A_452 = tpu.vector_load_idx %arg28[%add3A_358, %broadcast_in_dim3A_435] : memref<128x64xf32, #tpu.memory_space<vmem>>[vector<16xi32>, vector<16xi32>], vector<16xf32>,
        %mul3A_453 = arith.mulf %gather3A_436, %gather3A_452 : vector<16xf32>
        %add3A_454 = arith.addf %add3A_432, %mul3A_453 : vector<16xf32>
        scf.yield %add3A_439, %add3A_442, %add3A_445, %add3A_448, %add3A_451, %add3A_454 : vector<16xf32>, vector<16xf32>, vector<16xf32>, vector<16xf32>, vector<16xf32>, vector<16xf32>
      }
      %scan3A_365 = arith.constant 64 : i32
      %mul3A_366 = arith.constant 16 : i32
      %mul3A_367 = arith.muli %scan3A_354, %mul3A_366 : i32
      %add3A_368 = arith.constant 0 : i32
      %add3A_369 = arith.addi %add3A_368, %mul3A_367 : i32
      %swap3A = arith.constant 0 : i32
      %swap3A_370 = arith.index_cast %swap3A : i32 to index
      %swap3A_371 = arith.index_cast %add3A_369 : i32 to index
      %swap3A_372 = tpu.vector_load %arg36[%swap3A_370, %swap3A_371] {strides = array<i32>} : memref<6x512xf32, #tpu.memory_space<vmem>>, vector<16xf32>,
      tpu.vector_store %arg36[%swap3A_370, %swap3A_371], %scan3A_364#0 {strides = array<i32>} : memref<6x512xf32, #tpu.memory_space<vmem>>, vector<16xf32>,
      %neg3A = arith.constant 0.000000e+00 : f32
      %neg3A_373 = vector.broadcast %neg3A : f32 to vector<16xf32>
      %neg3A_374 = arith.subf %neg3A_373, %scan3A_364#1 : vector<16xf32>
      %swap3A_375 = arith.constant 1 : i32
      %swap3A_376 = arith.index_cast %swap3A_375 : i32 to index
      %swap3A_377 = arith.index_cast %add3A_369 : i32 to index
      %swap3A_378 = tpu.vector_load %arg36[%swap3A_376, %swap3A_377] {strides = array<i32>} : memref<6x512xf32, #tpu.memory_space<vmem>>, vector<16xf32>,
      tpu.vector_store %arg36[%swap3A_376, %swap3A_377], %neg3A_374 {strides = array<i32>} : memref<6x512xf32, #tpu.memory_space<vmem>>, vector<16xf32>,
      %neg3A_379 = arith.constant 0.000000e+00 : f32
      %neg3A_380 = vector.broadcast %neg3A_379 : f32 to vector<16xf32>
      %neg3A_381 = arith.subf %neg3A_380, %scan3A_364#2 : vector<16xf32>
      %swap3A_382 = arith.constant 2 : i32
      %swap3A_383 = arith.index_cast %swap3A_382 : i32 to index
      %swap3A_384 = arith.index_cast %add3A_369 : i32 to index
      %swap3A_385 = tpu.vector_load %arg36[%swap3A_383, %swap3A_384] {strides = array<i32>} : memref<6x512xf32, #tpu.memory_space<vmem>>, vector<16xf32>,
      tpu.vector_store %arg36[%swap3A_383, %swap3A_384], %neg3A_381 {strides = array<i32>} : memref<6x512xf32, #tpu.memory_space<vmem>>, vector<16xf32>,
      %neg3A_386 = arith.constant 0.000000e+00 : f32
      %neg3A_387 = vector.broadcast %neg3A_386 : f32 to vector<16xf32>
      %neg3A_388 = arith.subf %neg3A_387, %scan3A_364#3 : vector<16xf32>
      %swap3A_389 = arith.constant 3 : i32
      %swap3A_390 = arith.index_cast %swap3A_389 : i32 to index
      %swap3A_391 = arith.index_cast %add3A_369 : i32 to index
      %swap3A_392 = tpu.vector_load %arg36[%swap3A_390, %swap3A_391] {strides = array<i32>} : memref<6x512xf32, #tpu.memory_space<vmem>>, vector<16xf32>,
      tpu.vector_store %arg36[%swap3A_390, %swap3A_391], %neg3A_388 {strides = array<i32>} : memref<6x512xf32, #tpu.memory_space<vmem>>, vector<16xf32>,
      %neg3A_393 = arith.constant 0.000000e+00 : f32
      %neg3A_394 = vector.broadcast %neg3A_393 : f32 to vector<16xf32>
      %neg3A_395 = arith.subf %neg3A_394, %scan3A_364#4 : vector<16xf32>
      %swap3A_396 = arith.constant 4 : i32
      %swap3A_397 = arith.index_cast %swap3A_396 : i32 to index
      %swap3A_398 = arith.index_cast %add3A_369 : i32 to index
      %swap3A_399 = tpu.vector_load %arg36[%swap3A_397, %swap3A_398] {strides = array<i32>} : memref<6x512xf32, #tpu.memory_space<vmem>>, vector<16xf32>,
      tpu.vector_store %arg36[%swap3A_397, %swap3A_398], %neg3A_395 {strides = array<i32>} : memref<6x512xf32, #tpu.memory_space<vmem>>, vector<16xf32>,
      %neg3A_400 = arith.constant 0.000000e+00 : f32
      %neg3A_401 = vector.broadcast %neg3A_400 : f32 to vector<16xf32>
      %neg3A_402 = arith.subf %neg3A_401, %scan3A_364#5 : vector<16xf32>
      %swap3A_403 = arith.constant 5 : i32
      %swap3A_404 = arith.index_cast %swap3A_403 : i32 to index
      %swap3A_405 = arith.index_cast %add3A_369 : i32 to index
      %swap3A_406 = tpu.vector_load %arg36[%swap3A_404, %swap3A_405] {strides = array<i32>} : memref<6x512xf32, #tpu.memory_space<vmem>>, vector<16xf32>,
      tpu.vector_store %arg36[%swap3A_404, %swap3A_405], %neg3A_402 {strides = array<i32>} : memref<6x512xf32, #tpu.memory_space<vmem>>, vector<16xf32>,
    }
    %scan3A_148 = arith.constant 8 : i32
    %add3A_149 = arith.constant 256 : i32
    %add3A_150 = arith.addi %mul3A_2, %add3A_149 : i32
    %add3A_151 = arith.constant 0 : i32
    %add3A_152 = arith.addi %add3A_151, %add3A_150 : i32
    %add3A_153 = arith.constant 16384 : i32
    %add3A_154 = arith.addi %add3A_153, %add3A_150 : i32
    %add3A_155 = arith.constant 32768 : i32
    %add3A_156 = arith.addi %add3A_155, %add3A_150 : i32
    %add3A_157 = arith.constant 49152 : i32
    %add3A_158 = arith.addi %add3A_157, %add3A_150 : i32
    %add3A_159 = arith.constant 65536 : i32
    %add3A_160 = arith.addi %add3A_159, %add3A_150 : i32
    %dma_start3A_161 = tpu.memref_slice %arg2[%add3A_150] : memref<16384xi32, #tpu.memory_space<hbm>> -> memref<128xi32, #tpu.memory_space<hbm>>
    %dma_start3A_162 = tpu.memref_slice %arg2[%add3A_150] : memref<16384xi32, #tpu.memory_space<hbm>> -> memref<128xi32, #tpu.memory_space<hbm>>
    tpu.enqueue_dma source(%dma_start3A_162 : memref<128xi32, #tpu.memory_space<hbm>>) target(%arg8 : memref<128xi32, #tpu.memory_space<vmem>>) target_semaphore(%arg37 : memref<!tpu.dma_semaphore, #tpu.memory_space<semaphore_mem>>)
    %dma_start3A_163 = tpu.memref_slice %arg3[%add3A_150] : memref<16384xi32, #tpu.memory_space<hbm>> -> memref<128xi32, #tpu.memory_space<hbm>>
    %dma_start3A_164 = tpu.memref_slice %arg3[%add3A_150] : memref<16384xi32, #tpu.memory_space<hbm>> -> memref<128xi32, #tpu.memory_space<hbm>>
    tpu.enqueue_dma source(%dma_start3A_164 : memref<128xi32, #tpu.memory_space<hbm>>) target(%arg9 : memref<128xi32, #tpu.memory_space<vmem>>) target_semaphore(%arg37 : memref<!tpu.dma_semaphore, #tpu.memory_space<semaphore_mem>>)
    %dma_start3A_165 = tpu.memref_slice %arg4[%add3A_152] : memref<81920xi32, #tpu.memory_space<hbm>> -> memref<128xi32, #tpu.memory_space<hbm>>
    %dma_start3A_166 = tpu.memref_slice %arg4[%add3A_152] : memref<81920xi32, #tpu.memory_space<hbm>> -> memref<128xi32, #tpu.memory_space<hbm>>
    tpu.enqueue_dma source(%dma_start3A_166 : memref<128xi32, #tpu.memory_space<hbm>>) target(%arg10 : memref<128xi32, #tpu.memory_space<vmem>>) target_semaphore(%arg37 : memref<!tpu.dma_semaphore, #tpu.memory_space<semaphore_mem>>)
    %dma_start3A_167 = tpu.memref_slice %arg4[%add3A_154] : memref<81920xi32, #tpu.memory_space<hbm>> -> memref<128xi32, #tpu.memory_space<hbm>>
    %dma_start3A_168 = tpu.memref_slice %arg4[%add3A_154] : memref<81920xi32, #tpu.memory_space<hbm>> -> memref<128xi32, #tpu.memory_space<hbm>>
    tpu.enqueue_dma source(%dma_start3A_168 : memref<128xi32, #tpu.memory_space<hbm>>) target(%arg11 : memref<128xi32, #tpu.memory_space<vmem>>) target_semaphore(%arg37 : memref<!tpu.dma_semaphore, #tpu.memory_space<semaphore_mem>>)
    %dma_start3A_169 = tpu.memref_slice %arg4[%add3A_156] : memref<81920xi32, #tpu.memory_space<hbm>> -> memref<128xi32, #tpu.memory_space<hbm>>
    %dma_start3A_170 = tpu.memref_slice %arg4[%add3A_156] : memref<81920xi32, #tpu.memory_space<hbm>> -> memref<128xi32, #tpu.memory_space<hbm>>
    tpu.enqueue_dma source(%dma_start3A_170 : memref<128xi32, #tpu.memory_space<hbm>>) target(%arg12 : memref<128xi32, #tpu.memory_space<vmem>>) target_semaphore(%arg37 : memref<!tpu.dma_semaphore, #tpu.memory_space<semaphore_mem>>)
    %dma_start3A_171 = tpu.memref_slice %arg4[%add3A_158] : memref<81920xi32, #tpu.memory_space<hbm>> -> memref<128xi32, #tpu.memory_space<hbm>>
    %dma_start3A_172 = tpu.memref_slice %arg4[%add3A_158] : memref<81920xi32, #tpu.memory_space<hbm>> -> memref<128xi32, #tpu.memory_space<hbm>>
    tpu.enqueue_dma source(%dma_start3A_172 : memref<128xi32, #tpu.memory_space<hbm>>) target(%arg13 : memref<128xi32, #tpu.memory_space<vmem>>) target_semaphore(%arg37 : memref<!tpu.dma_semaphore, #tpu.memory_space<semaphore_mem>>)
    %dma_start3A_173 = tpu.memref_slice %arg4[%add3A_160] : memref<81920xi32, #tpu.memory_space<hbm>> -> memref<128xi32, #tpu.memory_space<hbm>>
    %dma_start3A_174 = tpu.memref_slice %arg4[%add3A_160] : memref<81920xi32, #tpu.memory_space<hbm>> -> memref<128xi32, #tpu.memory_space<hbm>>
    tpu.enqueue_dma source(%dma_start3A_174 : memref<128xi32, #tpu.memory_space<hbm>>) target(%arg14 : memref<128xi32, #tpu.memory_space<vmem>>) target_semaphore(%arg37 : memref<!tpu.dma_semaphore, #tpu.memory_space<semaphore_mem>>)
    %dma_wait3A_175 = tpu.memref_slice %arg2[%add3A_150] : memref<16384xi32, #tpu.memory_space<hbm>> -> memref<128xi32, #tpu.memory_space<hbm>>
    %dma_wait3A_176 = tpu.memref_slice %arg2[%add3A_150] : memref<16384xi32, #tpu.memory_space<hbm>> -> memref<128xi32, #tpu.memory_space<hbm>>
    tpu.wait_dma2 semaphore(%arg37 : memref<!tpu.dma_semaphore, #tpu.memory_space<semaphore_mem>>) src(%dma_wait3A_176 : memref<128xi32, #tpu.memory_space<hbm>>) dst(%arg8 : memref<128xi32, #tpu.memory_space<vmem>>)
    %dma_wait3A_177 = tpu.memref_slice %arg3[%add3A_150] : memref<16384xi32, #tpu.memory_space<hbm>> -> memref<128xi32, #tpu.memory_space<hbm>>
    %dma_wait3A_178 = tpu.memref_slice %arg3[%add3A_150] : memref<16384xi32, #tpu.memory_space<hbm>> -> memref<128xi32, #tpu.memory_space<hbm>>
    tpu.wait_dma2 semaphore(%arg37 : memref<!tpu.dma_semaphore, #tpu.memory_space<semaphore_mem>>) src(%dma_wait3A_178 : memref<128xi32, #tpu.memory_space<hbm>>) dst(%arg9 : memref<128xi32, #tpu.memory_space<vmem>>)
    %dma_wait3A_179 = tpu.memref_slice %arg4[%add3A_152] : memref<81920xi32, #tpu.memory_space<hbm>> -> memref<128xi32, #tpu.memory_space<hbm>>
    %dma_wait3A_180 = tpu.memref_slice %arg4[%add3A_152] : memref<81920xi32, #tpu.memory_space<hbm>> -> memref<128xi32, #tpu.memory_space<hbm>>
    tpu.wait_dma2 semaphore(%arg37 : memref<!tpu.dma_semaphore, #tpu.memory_space<semaphore_mem>>) src(%dma_wait3A_180 : memref<128xi32, #tpu.memory_space<hbm>>) dst(%arg10 : memref<128xi32, #tpu.memory_space<vmem>>)
    %dma_wait3A_181 = tpu.memref_slice %arg4[%add3A_154] : memref<81920xi32, #tpu.memory_space<hbm>> -> memref<128xi32, #tpu.memory_space<hbm>>
    %dma_wait3A_182 = tpu.memref_slice %arg4[%add3A_154] : memref<81920xi32, #tpu.memory_space<hbm>> -> memref<128xi32, #tpu.memory_space<hbm>>
    tpu.wait_dma2 semaphore(%arg37 : memref<!tpu.dma_semaphore, #tpu.memory_space<semaphore_mem>>) src(%dma_wait3A_182 : memref<128xi32, #tpu.memory_space<hbm>>) dst(%arg11 : memref<128xi32, #tpu.memory_space<vmem>>)
    %dma_wait3A_183 = tpu.memref_slice %arg4[%add3A_156] : memref<81920xi32, #tpu.memory_space<hbm>> -> memref<128xi32, #tpu.memory_space<hbm>>
    %dma_wait3A_184 = tpu.memref_slice %arg4[%add3A_156] : memref<81920xi32, #tpu.memory_space<hbm>> -> memref<128xi32, #tpu.memory_space<hbm>>
    tpu.wait_dma2 semaphore(%arg37 : memref<!tpu.dma_semaphore, #tpu.memory_space<semaphore_mem>>) src(%dma_wait3A_184 : memref<128xi32, #tpu.memory_space<hbm>>) dst(%arg12 : memref<128xi32, #tpu.memory_space<vmem>>)
    %dma_wait3A_185 = tpu.memref_slice %arg4[%add3A_158] : memref<81920xi32, #tpu.memory_space<hbm>> -> memref<128xi32, #tpu.memory_space<hbm>>
    %dma_wait3A_186 = tpu.memref_slice %arg4[%add3A_158] : memref<81920xi32, #tpu.memory_space<hbm>> -> memref<128xi32, #tpu.memory_space<hbm>>
    tpu.wait_dma2 semaphore(%arg37 : memref<!tpu.dma_semaphore, #tpu.memory_space<semaphore_mem>>) src(%dma_wait3A_186 : memref<128xi32, #tpu.memory_space<hbm>>) dst(%arg13 : memref<128xi32, #tpu.memory_space<vmem>>)
    %dma_wait3A_187 = tpu.memref_slice %arg4[%add3A_160] : memref<81920xi32, #tpu.memory_space<hbm>> -> memref<128xi32, #tpu.memory_space<hbm>>
    %dma_wait3A_188 = tpu.memref_slice %arg4[%add3A_160] : memref<81920xi32, #tpu.memory_space<hbm>> -> memref<128xi32, #tpu.memory_space<hbm>>
    tpu.wait_dma2 semaphore(%arg37 : memref<!tpu.dma_semaphore, #tpu.memory_space<semaphore_mem>>) src(%dma_wait3A_188 : memref<128xi32, #tpu.memory_space<hbm>>) dst(%arg14 : memref<128xi32, #tpu.memory_space<vmem>>)
    %dma_start3A_189 = arith.constant 0 : i32
    %dma_start3A_190 = arith.constant 0 : i32
    %dma_start3A_191 = tpu.memref_slice %arg5[%dma_start3A_189, %dma_start3A_190] : memref<100000x64xf32, #tpu.memory_space<hbm>> -> memref<100000x64xf32, #tpu.memory_space<hbm>>
    tpu.enqueue_indirect_dma source(%dma_start3A_191 : memref<100000x64xf32, #tpu.memory_space<hbm>>) target(%arg22 : memref<128x64xf32, #tpu.memory_space<vmem>>) offsets(%arg8 : memref<128xi32, #tpu.memory_space<vmem>>) semaphore(%arg37 : memref<!tpu.dma_semaphore, #tpu.memory_space<semaphore_mem>>)
    %dma_start3A_192 = arith.constant 0 : i32
    %dma_start3A_193 = arith.constant 0 : i32
    %dma_start3A_194 = tpu.memref_slice %arg6[%dma_start3A_192, %dma_start3A_193] : memref<100000x64xf32, #tpu.memory_space<hbm>> -> memref<100000x64xf32, #tpu.memory_space<hbm>>
    tpu.enqueue_indirect_dma source(%dma_start3A_194 : memref<100000x64xf32, #tpu.memory_space<hbm>>) target(%arg23 : memref<128x64xf32, #tpu.memory_space<vmem>>) offsets(%arg9 : memref<128xi32, #tpu.memory_space<vmem>>) semaphore(%arg37 : memref<!tpu.dma_semaphore, #tpu.memory_space<semaphore_mem>>)
    %dma_start3A_195 = arith.constant 0 : i32
    %dma_start3A_196 = arith.constant 0 : i32
    %dma_start3A_197 = tpu.memref_slice %arg6[%dma_start3A_195, %dma_start3A_196] : memref<100000x64xf32, #tpu.memory_space<hbm>> -> memref<100000x64xf32, #tpu.memory_space<hbm>>
    tpu.enqueue_indirect_dma source(%dma_start3A_197 : memref<100000x64xf32, #tpu.memory_space<hbm>>) target(%arg24 : memref<128x64xf32, #tpu.memory_space<vmem>>) offsets(%arg10 : memref<128xi32, #tpu.memory_space<vmem>>) semaphore(%arg37 : memref<!tpu.dma_semaphore, #tpu.memory_space<semaphore_mem>>)
    %dma_start3A_198 = arith.constant 0 : i32
    %dma_start3A_199 = arith.constant 0 : i32
    %dma_start3A_200 = tpu.memref_slice %arg6[%dma_start3A_198, %dma_start3A_199] : memref<100000x64xf32, #tpu.memory_space<hbm>> -> memref<100000x64xf32, #tpu.memory_space<hbm>>
    tpu.enqueue_indirect_dma source(%dma_start3A_200 : memref<100000x64xf32, #tpu.memory_space<hbm>>) target(%arg25 : memref<128x64xf32, #tpu.memory_space<vmem>>) offsets(%arg11 : memref<128xi32, #tpu.memory_space<vmem>>) semaphore(%arg37 : memref<!tpu.dma_semaphore, #tpu.memory_space<semaphore_mem>>)
    %dma_start3A_201 = arith.constant 0 : i32
    %dma_start3A_202 = arith.constant 0 : i32
    %dma_start3A_203 = tpu.memref_slice %arg6[%dma_start3A_201, %dma_start3A_202] : memref<100000x64xf32, #tpu.memory_space<hbm>> -> memref<100000x64xf32, #tpu.memory_space<hbm>>
    tpu.enqueue_indirect_dma source(%dma_start3A_203 : memref<100000x64xf32, #tpu.memory_space<hbm>>) target(%arg26 : memref<128x64xf32, #tpu.memory_space<vmem>>) offsets(%arg12 : memref<128xi32, #tpu.memory_space<vmem>>) semaphore(%arg37 : memref<!tpu.dma_semaphore, #tpu.memory_space<semaphore_mem>>)
    %dma_start3A_204 = arith.constant 0 : i32
    %dma_start3A_205 = arith.constant 0 : i32
    %dma_start3A_206 = tpu.memref_slice %arg6[%dma_start3A_204, %dma_start3A_205] : memref<100000x64xf32, #tpu.memory_space<hbm>> -> memref<100000x64xf32, #tpu.memory_space<hbm>>
    tpu.enqueue_indirect_dma source(%dma_start3A_206 : memref<100000x64xf32, #tpu.memory_space<hbm>>) target(%arg27 : memref<128x64xf32, #tpu.memory_space<vmem>>) offsets(%arg13 : memref<128xi32, #tpu.memory_space<vmem>>) semaphore(%arg37 : memref<!tpu.dma_semaphore, #tpu.memory_space<semaphore_mem>>)
    %dma_start3A_207 = arith.constant 0 : i32
    %dma_start3A_208 = arith.constant 0 : i32
    %dma_start3A_209 = tpu.memref_slice %arg6[%dma_start3A_207, %dma_start3A_208] : memref<100000x64xf32, #tpu.memory_space<hbm>> -> memref<100000x64xf32, #tpu.memory_space<hbm>>
    tpu.enqueue_indirect_dma source(%dma_start3A_209 : memref<100000x64xf32, #tpu.memory_space<hbm>>) target(%arg28 : memref<128x64xf32, #tpu.memory_space<vmem>>) offsets(%arg14 : memref<128xi32, #tpu.memory_space<vmem>>) semaphore(%arg37 : memref<!tpu.dma_semaphore, #tpu.memory_space<semaphore_mem>>)
    %dma_wait3A_210 = arith.constant 0 : i32
    %dma_wait3A_211 = arith.constant 0 : i32
    %dma_wait3A_212 = tpu.memref_slice %arg5[%dma_wait3A_210, %dma_wait3A_211] : memref<100000x64xf32, #tpu.memory_space<hbm>> -> memref<100000x64xf32, #tpu.memory_space<hbm>>
    tpu.wait_indirect_dma semaphore(%arg38 : memref<!tpu.dma_semaphore, #tpu.memory_space<semaphore_mem>>) src(%dma_wait3A_212 : memref<100000x64xf32, #tpu.memory_space<hbm>>) dst(%arg29 : memref<128x64xf32, #tpu.memory_space<vmem>>)
    %dma_wait3A_213 = arith.constant 0 : i32
    %dma_wait3A_214 = arith.constant 0 : i32
    %dma_wait3A_215 = tpu.memref_slice %arg6[%dma_wait3A_213, %dma_wait3A_214] : memref<100000x64xf32, #tpu.memory_space<hbm>> -> memref<100000x64xf32, #tpu.memory_space<hbm>>
    tpu.wait_indirect_dma semaphore(%arg38 : memref<!tpu.dma_semaphore, #tpu.memory_space<semaphore_mem>>) src(%dma_wait3A_215 : memref<100000x64xf32, #tpu.memory_space<hbm>>) dst(%arg30 : memref<128x64xf32, #tpu.memory_space<vmem>>)
    %dma_wait3A_216 = arith.constant 0 : i32
    %dma_wait3A_217 = arith.constant 0 : i32
    %dma_wait3A_218 = tpu.memref_slice %arg6[%dma_wait3A_216, %dma_wait3A_217] : memref<100000x64xf32, #tpu.memory_space<hbm>> -> memref<100000x64xf32, #tpu.memory_space<hbm>>
    tpu.wait_indirect_dma semaphore(%arg38 : memref<!tpu.dma_semaphore, #tpu.memory_space<semaphore_mem>>) src(%dma_wait3A_218 : memref<100000x64xf32, #tpu.memory_space<hbm>>) dst(%arg31 : memref<128x64xf32, #tpu.memory_space<vmem>>)
    %dma_wait3A_219 = arith.constant 0 : i32
    %dma_wait3A_220 = arith.constant 0 : i32
    %dma_wait3A_221 = tpu.memref_slice %arg6[%dma_wait3A_219, %dma_wait3A_220] : memref<100000x64xf32, #tpu.memory_space<hbm>> -> memref<100000x64xf32, #tpu.memory_space<hbm>>
    tpu.wait_indirect_dma semaphore(%arg38 : memref<!tpu.dma_semaphore, #tpu.memory_space<semaphore_mem>>) src(%dma_wait3A_221 : memref<100000x64xf32, #tpu.memory_space<hbm>>) dst(%arg32 : memref<128x64xf32, #tpu.memory_space<vmem>>)
    %dma_wait3A_222 = arith.constant 0 : i32
    %dma_wait3A_223 = arith.constant 0 : i32
    %dma_wait3A_224 = tpu.memref_slice %arg6[%dma_wait3A_222, %dma_wait3A_223] : memref<100000x64xf32, #tpu.memory_space<hbm>> -> memref<100000x64xf32, #tpu.memory_space<hbm>>
    tpu.wait_indirect_dma semaphore(%arg38 : memref<!tpu.dma_semaphore, #tpu.memory_space<semaphore_mem>>) src(%dma_wait3A_224 : memref<100000x64xf32, #tpu.memory_space<hbm>>) dst(%arg33 : memref<128x64xf32, #tpu.memory_space<vmem>>)
    %dma_wait3A_225 = arith.constant 0 : i32
    %dma_wait3A_226 = arith.constant 0 : i32
    %dma_wait3A_227 = tpu.memref_slice %arg6[%dma_wait3A_225, %dma_wait3A_226] : memref<100000x64xf32, #tpu.memory_space<hbm>> -> memref<100000x64xf32, #tpu.memory_space<hbm>>
    tpu.wait_indirect_dma semaphore(%arg38 : memref<!tpu.dma_semaphore, #tpu.memory_space<semaphore_mem>>) src(%dma_wait3A_227 : memref<100000x64xf32, #tpu.memory_space<hbm>>) dst(%arg34 : memref<128x64xf32, #tpu.memory_space<vmem>>)
    %dma_wait3A_228 = arith.constant 0 : i32
    %dma_wait3A_229 = arith.constant 0 : i32
    %dma_wait3A_230 = tpu.memref_slice %arg6[%dma_wait3A_228, %dma_wait3A_229] : memref<100000x64xf32, #tpu.memory_space<hbm>> -> memref<100000x64xf32, #tpu.memory_space<hbm>>
    tpu.wait_indirect_dma semaphore(%arg38 : memref<!tpu.dma_semaphore, #tpu.memory_space<semaphore_mem>>) src(%dma_wait3A_230 : memref<100000x64xf32, #tpu.memory_space<hbm>>) dst(%arg35 : memref<128x64xf32, #tpu.memory_space<vmem>>)
    %scan3A_231 = arith.constant 0 : i32
    %scan3A_232 = arith.constant 0 : i32
    %scan3A_233 = arith.constant 8 : i32
    %scan3A_234 = arith.addi %scan3A_232, %scan3A_233 : i32
    %scan3A_235 = arith.constant 1 : i32
    scf.for %scan3A_354 = %scan3A_232 to %scan3A_234 step %scan3A_235  : i32 {
      %mul3A_355 = arith.constant 16 : i32
      %mul3A_356 = arith.muli %scan3A_354, %mul3A_355 : i32
      %iota3A = tpu.iota {dimensions = array<i32: 0>} : vector<16xi32>
      %add3A_357 = vector.broadcast %mul3A_356 : i32 to vector<16xi32>
      %add3A_358 = arith.addi %add3A_357, %iota3A : vector<16xi32>
      %broadcast_in_dim3A = arith.constant 0.000000e+00 : f32
      %broadcast_in_dim3A_359 = vector.broadcast %broadcast_in_dim3A : f32 to vector<16xf32>
      %scan3A_360 = arith.constant 0 : i32
      %scan3A_361 = arith.constant 64 : i32
      %scan3A_362 = arith.addi %scan3A_360, %scan3A_361 : i32
      %scan3A_363 = arith.constant 2 : i32
      %scan3A_364:6 = scf.for %scan3A_407 = %scan3A_360 to %scan3A_362 step %scan3A_363 iter_args(%scan3A_408 = %broadcast_in_dim3A_359, %scan3A_409 = %broadcast_in_dim3A_359, %scan3A_410 = %broadcast_in_dim3A_359, %scan3A_411 = %broadcast_in_dim3A_359, %scan3A_412 = %broadcast_in_dim3A_359, %scan3A_413 = %broadcast_in_dim3A_359) -> (vector<16xf32>, vector<16xf32>, vector<16xf32>, vector<16xf32>, vector<16xf32>, vector<16xf32>)  : i32 {
        %broadcast_in_dim3A_414 = vector.broadcast %scan3A_407 : i32 to vector<16xi32>
        %gather3A = tpu.vector_load_idx %arg29[%add3A_358, %broadcast_in_dim3A_414] : memref<128x64xf32, #tpu.memory_space<vmem>>[vector<16xi32>, vector<16xi32>], vector<16xf32>,
        %gather3A_415 = tpu.vector_load_idx %arg30[%add3A_358, %broadcast_in_dim3A_414] : memref<128x64xf32, #tpu.memory_space<vmem>>[vector<16xi32>, vector<16xi32>], vector<16xf32>,
        %mul3A_416 = arith.mulf %gather3A, %gather3A_415 : vector<16xf32>
        %add3A_417 = arith.addf %scan3A_408, %mul3A_416 : vector<16xf32>
        %gather3A_418 = tpu.vector_load_idx %arg31[%add3A_358, %broadcast_in_dim3A_414] : memref<128x64xf32, #tpu.memory_space<vmem>>[vector<16xi32>, vector<16xi32>], vector<16xf32>,
        %mul3A_419 = arith.mulf %gather3A, %gather3A_418 : vector<16xf32>
        %add3A_420 = arith.addf %scan3A_409, %mul3A_419 : vector<16xf32>
        %gather3A_421 = tpu.vector_load_idx %arg32[%add3A_358, %broadcast_in_dim3A_414] : memref<128x64xf32, #tpu.memory_space<vmem>>[vector<16xi32>, vector<16xi32>], vector<16xf32>,
        %mul3A_422 = arith.mulf %gather3A, %gather3A_421 : vector<16xf32>
        %add3A_423 = arith.addf %scan3A_410, %mul3A_422 : vector<16xf32>
        %gather3A_424 = tpu.vector_load_idx %arg33[%add3A_358, %broadcast_in_dim3A_414] : memref<128x64xf32, #tpu.memory_space<vmem>>[vector<16xi32>, vector<16xi32>], vector<16xf32>,
        %mul3A_425 = arith.mulf %gather3A, %gather3A_424 : vector<16xf32>
        %add3A_426 = arith.addf %scan3A_411, %mul3A_425 : vector<16xf32>
        %gather3A_427 = tpu.vector_load_idx %arg34[%add3A_358, %broadcast_in_dim3A_414] : memref<128x64xf32, #tpu.memory_space<vmem>>[vector<16xi32>, vector<16xi32>], vector<16xf32>,
        %mul3A_428 = arith.mulf %gather3A, %gather3A_427 : vector<16xf32>
        %add3A_429 = arith.addf %scan3A_412, %mul3A_428 : vector<16xf32>
        %gather3A_430 = tpu.vector_load_idx %arg35[%add3A_358, %broadcast_in_dim3A_414] : memref<128x64xf32, #tpu.memory_space<vmem>>[vector<16xi32>, vector<16xi32>], vector<16xf32>,
        %mul3A_431 = arith.mulf %gather3A, %gather3A_430 : vector<16xf32>
        %add3A_432 = arith.addf %scan3A_413, %mul3A_431 : vector<16xf32>
        %scan3A_433 = arith.constant 1 : i32
        %scan3A_434 = arith.addi %scan3A_407, %scan3A_433 : i32
        %broadcast_in_dim3A_435 = vector.broadcast %scan3A_434 : i32 to vector<16xi32>
        %gather3A_436 = tpu.vector_load_idx %arg29[%add3A_358, %broadcast_in_dim3A_435] : memref<128x64xf32, #tpu.memory_space<vmem>>[vector<16xi32>, vector<16xi32>], vector<16xf32>,
        %gather3A_437 = tpu.vector_load_idx %arg30[%add3A_358, %broadcast_in_dim3A_435] : memref<128x64xf32, #tpu.memory_space<vmem>>[vector<16xi32>, vector<16xi32>], vector<16xf32>,
        %mul3A_438 = arith.mulf %gather3A_436, %gather3A_437 : vector<16xf32>
        %add3A_439 = arith.addf %add3A_417, %mul3A_438 : vector<16xf32>
        %gather3A_440 = tpu.vector_load_idx %arg31[%add3A_358, %broadcast_in_dim3A_435] : memref<128x64xf32, #tpu.memory_space<vmem>>[vector<16xi32>, vector<16xi32>], vector<16xf32>,
        %mul3A_441 = arith.mulf %gather3A_436, %gather3A_440 : vector<16xf32>
        %add3A_442 = arith.addf %add3A_420, %mul3A_441 : vector<16xf32>
        %gather3A_443 = tpu.vector_load_idx %arg32[%add3A_358, %broadcast_in_dim3A_435] : memref<128x64xf32, #tpu.memory_space<vmem>>[vector<16xi32>, vector<16xi32>], vector<16xf32>,
        %mul3A_444 = arith.mulf %gather3A_436, %gather3A_443 : vector<16xf32>
        %add3A_445 = arith.addf %add3A_423, %mul3A_444 : vector<16xf32>
        %gather3A_446 = tpu.vector_load_idx %arg33[%add3A_358, %broadcast_in_dim3A_435] : memref<128x64xf32, #tpu.memory_space<vmem>>[vector<16xi32>, vector<16xi32>], vector<16xf32>,
        %mul3A_447 = arith.mulf %gather3A_436, %gather3A_446 : vector<16xf32>
        %add3A_448 = arith.addf %add3A_426, %mul3A_447 : vector<16xf32>
        %gather3A_449 = tpu.vector_load_idx %arg34[%add3A_358, %broadcast_in_dim3A_435] : memref<128x64xf32, #tpu.memory_space<vmem>>[vector<16xi32>, vector<16xi32>], vector<16xf32>,
        %mul3A_450 = arith.mulf %gather3A_436, %gather3A_449 : vector<16xf32>
        %add3A_451 = arith.addf %add3A_429, %mul3A_450 : vector<16xf32>
        %gather3A_452 = tpu.vector_load_idx %arg35[%add3A_358, %broadcast_in_dim3A_435] : memref<128x64xf32, #tpu.memory_space<vmem>>[vector<16xi32>, vector<16xi32>], vector<16xf32>,
        %mul3A_453 = arith.mulf %gather3A_436, %gather3A_452 : vector<16xf32>
        %add3A_454 = arith.addf %add3A_432, %mul3A_453 : vector<16xf32>
        scf.yield %add3A_439, %add3A_442, %add3A_445, %add3A_448, %add3A_451, %add3A_454 : vector<16xf32>, vector<16xf32>, vector<16xf32>, vector<16xf32>, vector<16xf32>, vector<16xf32>
      }
      %scan3A_365 = arith.constant 64 : i32
      %mul3A_366 = arith.constant 16 : i32
      %mul3A_367 = arith.muli %scan3A_354, %mul3A_366 : i32
      %add3A_368 = arith.constant 128 : i32
      %add3A_369 = arith.addi %add3A_368, %mul3A_367 : i32
      %swap3A = arith.constant 0 : i32
      %swap3A_370 = arith.index_cast %swap3A : i32 to index
      %swap3A_371 = arith.index_cast %add3A_369 : i32 to index
      %swap3A_372 = tpu.vector_load %arg36[%swap3A_370, %swap3A_371] {strides = array<i32>} : memref<6x512xf32, #tpu.memory_space<vmem>>, vector<16xf32>,
      tpu.vector_store %arg36[%swap3A_370, %swap3A_371], %scan3A_364#0 {strides = array<i32>} : memref<6x512xf32, #tpu.memory_space<vmem>>, vector<16xf32>,
      %neg3A = arith.constant 0.000000e+00 : f32
      %neg3A_373 = vector.broadcast %neg3A : f32 to vector<16xf32>
      %neg3A_374 = arith.subf %neg3A_373, %scan3A_364#1 : vector<16xf32>
      %swap3A_375 = arith.constant 1 : i32
      %swap3A_376 = arith.index_cast %swap3A_375 : i32 to index
      %swap3A_377 = arith.index_cast %add3A_369 : i32 to index
      %swap3A_378 = tpu.vector_load %arg36[%swap3A_376, %swap3A_377] {strides = array<i32>} : memref<6x512xf32, #tpu.memory_space<vmem>>, vector<16xf32>,
      tpu.vector_store %arg36[%swap3A_376, %swap3A_377], %neg3A_374 {strides = array<i32>} : memref<6x512xf32, #tpu.memory_space<vmem>>, vector<16xf32>,
      %neg3A_379 = arith.constant 0.000000e+00 : f32
      %neg3A_380 = vector.broadcast %neg3A_379 : f32 to vector<16xf32>
      %neg3A_381 = arith.subf %neg3A_380, %scan3A_364#2 : vector<16xf32>
      %swap3A_382 = arith.constant 2 : i32
      %swap3A_383 = arith.index_cast %swap3A_382 : i32 to index
      %swap3A_384 = arith.index_cast %add3A_369 : i32 to index
      %swap3A_385 = tpu.vector_load %arg36[%swap3A_383, %swap3A_384] {strides = array<i32>} : memref<6x512xf32, #tpu.memory_space<vmem>>, vector<16xf32>,
      tpu.vector_store %arg36[%swap3A_383, %swap3A_384], %neg3A_381 {strides = array<i32>} : memref<6x512xf32, #tpu.memory_space<vmem>>, vector<16xf32>,
      %neg3A_386 = arith.constant 0.000000e+00 : f32
      %neg3A_387 = vector.broadcast %neg3A_386 : f32 to vector<16xf32>
      %neg3A_388 = arith.subf %neg3A_387, %scan3A_364#3 : vector<16xf32>
      %swap3A_389 = arith.constant 3 : i32
      %swap3A_390 = arith.index_cast %swap3A_389 : i32 to index
      %swap3A_391 = arith.index_cast %add3A_369 : i32 to index
      %swap3A_392 = tpu.vector_load %arg36[%swap3A_390, %swap3A_391] {strides = array<i32>} : memref<6x512xf32, #tpu.memory_space<vmem>>, vector<16xf32>,
      tpu.vector_store %arg36[%swap3A_390, %swap3A_391], %neg3A_388 {strides = array<i32>} : memref<6x512xf32, #tpu.memory_space<vmem>>, vector<16xf32>,
      %neg3A_393 = arith.constant 0.000000e+00 : f32
      %neg3A_394 = vector.broadcast %neg3A_393 : f32 to vector<16xf32>
      %neg3A_395 = arith.subf %neg3A_394, %scan3A_364#4 : vector<16xf32>
      %swap3A_396 = arith.constant 4 : i32
      %swap3A_397 = arith.index_cast %swap3A_396 : i32 to index
      %swap3A_398 = arith.index_cast %add3A_369 : i32 to index
      %swap3A_399 = tpu.vector_load %arg36[%swap3A_397, %swap3A_398] {strides = array<i32>} : memref<6x512xf32, #tpu.memory_space<vmem>>, vector<16xf32>,
      tpu.vector_store %arg36[%swap3A_397, %swap3A_398], %neg3A_395 {strides = array<i32>} : memref<6x512xf32, #tpu.memory_space<vmem>>, vector<16xf32>,
      %neg3A_400 = arith.constant 0.000000e+00 : f32
      %neg3A_401 = vector.broadcast %neg3A_400 : f32 to vector<16xf32>
      %neg3A_402 = arith.subf %neg3A_401, %scan3A_364#5 : vector<16xf32>
      %swap3A_403 = arith.constant 5 : i32
      %swap3A_404 = arith.index_cast %swap3A_403 : i32 to index
      %swap3A_405 = arith.index_cast %add3A_369 : i32 to index
      %swap3A_406 = tpu.vector_load %arg36[%swap3A_404, %swap3A_405] {strides = array<i32>} : memref<6x512xf32, #tpu.memory_space<vmem>>, vector<16xf32>,
      tpu.vector_store %arg36[%swap3A_404, %swap3A_405], %neg3A_402 {strides = array<i32>} : memref<6x512xf32, #tpu.memory_space<vmem>>, vector<16xf32>,
    }
    %scan3A_236 = arith.constant 8 : i32
    %add3A_237 = arith.constant 384 : i32
    %add3A_238 = arith.addi %mul3A_2, %add3A_237 : i32
    %add3A_239 = arith.constant 0 : i32
    %add3A_240 = arith.addi %add3A_239, %add3A_238 : i32
    %add3A_241 = arith.constant 16384 : i32
    %add3A_242 = arith.addi %add3A_241, %add3A_238 : i32
    %add3A_243 = arith.constant 32768 : i32
    %add3A_244 = arith.addi %add3A_243, %add3A_238 : i32
    %add3A_245 = arith.constant 49152 : i32
    %add3A_246 = arith.addi %add3A_245, %add3A_238 : i32
    %add3A_247 = arith.constant 65536 : i32
    %add3A_248 = arith.addi %add3A_247, %add3A_238 : i32
    %dma_start3A_249 = tpu.memref_slice %arg2[%add3A_238] : memref<16384xi32, #tpu.memory_space<hbm>> -> memref<128xi32, #tpu.memory_space<hbm>>
    %dma_start3A_250 = tpu.memref_slice %arg2[%add3A_238] : memref<16384xi32, #tpu.memory_space<hbm>> -> memref<128xi32, #tpu.memory_space<hbm>>
    tpu.enqueue_dma source(%dma_start3A_250 : memref<128xi32, #tpu.memory_space<hbm>>) target(%arg15 : memref<128xi32, #tpu.memory_space<vmem>>) target_semaphore(%arg38 : memref<!tpu.dma_semaphore, #tpu.memory_space<semaphore_mem>>)
    %dma_start3A_251 = tpu.memref_slice %arg3[%add3A_238] : memref<16384xi32, #tpu.memory_space<hbm>> -> memref<128xi32, #tpu.memory_space<hbm>>
    %dma_start3A_252 = tpu.memref_slice %arg3[%add3A_238] : memref<16384xi32, #tpu.memory_space<hbm>> -> memref<128xi32, #tpu.memory_space<hbm>>
    tpu.enqueue_dma source(%dma_start3A_252 : memref<128xi32, #tpu.memory_space<hbm>>) target(%arg16 : memref<128xi32, #tpu.memory_space<vmem>>) target_semaphore(%arg38 : memref<!tpu.dma_semaphore, #tpu.memory_space<semaphore_mem>>)
    %dma_start3A_253 = tpu.memref_slice %arg4[%add3A_240] : memref<81920xi32, #tpu.memory_space<hbm>> -> memref<128xi32, #tpu.memory_space<hbm>>
    %dma_start3A_254 = tpu.memref_slice %arg4[%add3A_240] : memref<81920xi32, #tpu.memory_space<hbm>> -> memref<128xi32, #tpu.memory_space<hbm>>
    tpu.enqueue_dma source(%dma_start3A_254 : memref<128xi32, #tpu.memory_space<hbm>>) target(%arg17 : memref<128xi32, #tpu.memory_space<vmem>>) target_semaphore(%arg38 : memref<!tpu.dma_semaphore, #tpu.memory_space<semaphore_mem>>)
    %dma_start3A_255 = tpu.memref_slice %arg4[%add3A_242] : memref<81920xi32, #tpu.memory_space<hbm>> -> memref<128xi32, #tpu.memory_space<hbm>>
    %dma_start3A_256 = tpu.memref_slice %arg4[%add3A_242] : memref<81920xi32, #tpu.memory_space<hbm>> -> memref<128xi32, #tpu.memory_space<hbm>>
    tpu.enqueue_dma source(%dma_start3A_256 : memref<128xi32, #tpu.memory_space<hbm>>) target(%arg18 : memref<128xi32, #tpu.memory_space<vmem>>) target_semaphore(%arg38 : memref<!tpu.dma_semaphore, #tpu.memory_space<semaphore_mem>>)
    %dma_start3A_257 = tpu.memref_slice %arg4[%add3A_244] : memref<81920xi32, #tpu.memory_space<hbm>> -> memref<128xi32, #tpu.memory_space<hbm>>
    %dma_start3A_258 = tpu.memref_slice %arg4[%add3A_244] : memref<81920xi32, #tpu.memory_space<hbm>> -> memref<128xi32, #tpu.memory_space<hbm>>
    tpu.enqueue_dma source(%dma_start3A_258 : memref<128xi32, #tpu.memory_space<hbm>>) target(%arg19 : memref<128xi32, #tpu.memory_space<vmem>>) target_semaphore(%arg38 : memref<!tpu.dma_semaphore, #tpu.memory_space<semaphore_mem>>)
    %dma_start3A_259 = tpu.memref_slice %arg4[%add3A_246] : memref<81920xi32, #tpu.memory_space<hbm>> -> memref<128xi32, #tpu.memory_space<hbm>>
    %dma_start3A_260 = tpu.memref_slice %arg4[%add3A_246] : memref<81920xi32, #tpu.memory_space<hbm>> -> memref<128xi32, #tpu.memory_space<hbm>>
    tpu.enqueue_dma source(%dma_start3A_260 : memref<128xi32, #tpu.memory_space<hbm>>) target(%arg20 : memref<128xi32, #tpu.memory_space<vmem>>) target_semaphore(%arg38 : memref<!tpu.dma_semaphore, #tpu.memory_space<semaphore_mem>>)
    %dma_start3A_261 = tpu.memref_slice %arg4[%add3A_248] : memref<81920xi32, #tpu.memory_space<hbm>> -> memref<128xi32, #tpu.memory_space<hbm>>
    %dma_start3A_262 = tpu.memref_slice %arg4[%add3A_248] : memref<81920xi32, #tpu.memory_space<hbm>> -> memref<128xi32, #tpu.memory_space<hbm>>
    tpu.enqueue_dma source(%dma_start3A_262 : memref<128xi32, #tpu.memory_space<hbm>>) target(%arg21 : memref<128xi32, #tpu.memory_space<vmem>>) target_semaphore(%arg38 : memref<!tpu.dma_semaphore, #tpu.memory_space<semaphore_mem>>)
    %dma_wait3A_263 = tpu.memref_slice %arg2[%add3A_238] : memref<16384xi32, #tpu.memory_space<hbm>> -> memref<128xi32, #tpu.memory_space<hbm>>
    %dma_wait3A_264 = tpu.memref_slice %arg2[%add3A_238] : memref<16384xi32, #tpu.memory_space<hbm>> -> memref<128xi32, #tpu.memory_space<hbm>>
    tpu.wait_dma2 semaphore(%arg38 : memref<!tpu.dma_semaphore, #tpu.memory_space<semaphore_mem>>) src(%dma_wait3A_264 : memref<128xi32, #tpu.memory_space<hbm>>) dst(%arg15 : memref<128xi32, #tpu.memory_space<vmem>>)
    %dma_wait3A_265 = tpu.memref_slice %arg3[%add3A_238] : memref<16384xi32, #tpu.memory_space<hbm>> -> memref<128xi32, #tpu.memory_space<hbm>>
    %dma_wait3A_266 = tpu.memref_slice %arg3[%add3A_238] : memref<16384xi32, #tpu.memory_space<hbm>> -> memref<128xi32, #tpu.memory_space<hbm>>
    tpu.wait_dma2 semaphore(%arg38 : memref<!tpu.dma_semaphore, #tpu.memory_space<semaphore_mem>>) src(%dma_wait3A_266 : memref<128xi32, #tpu.memory_space<hbm>>) dst(%arg16 : memref<128xi32, #tpu.memory_space<vmem>>)
    %dma_wait3A_267 = tpu.memref_slice %arg4[%add3A_240] : memref<81920xi32, #tpu.memory_space<hbm>> -> memref<128xi32, #tpu.memory_space<hbm>>
    %dma_wait3A_268 = tpu.memref_slice %arg4[%add3A_240] : memref<81920xi32, #tpu.memory_space<hbm>> -> memref<128xi32, #tpu.memory_space<hbm>>
    tpu.wait_dma2 semaphore(%arg38 : memref<!tpu.dma_semaphore, #tpu.memory_space<semaphore_mem>>) src(%dma_wait3A_268 : memref<128xi32, #tpu.memory_space<hbm>>) dst(%arg17 : memref<128xi32, #tpu.memory_space<vmem>>)
    %dma_wait3A_269 = tpu.memref_slice %arg4[%add3A_242] : memref<81920xi32, #tpu.memory_space<hbm>> -> memref<128xi32, #tpu.memory_space<hbm>>
    %dma_wait3A_270 = tpu.memref_slice %arg4[%add3A_242] : memref<81920xi32, #tpu.memory_space<hbm>> -> memref<128xi32, #tpu.memory_space<hbm>>
    tpu.wait_dma2 semaphore(%arg38 : memref<!tpu.dma_semaphore, #tpu.memory_space<semaphore_mem>>) src(%dma_wait3A_270 : memref<128xi32, #tpu.memory_space<hbm>>) dst(%arg18 : memref<128xi32, #tpu.memory_space<vmem>>)
    %dma_wait3A_271 = tpu.memref_slice %arg4[%add3A_244] : memref<81920xi32, #tpu.memory_space<hbm>> -> memref<128xi32, #tpu.memory_space<hbm>>
    %dma_wait3A_272 = tpu.memref_slice %arg4[%add3A_244] : memref<81920xi32, #tpu.memory_space<hbm>> -> memref<128xi32, #tpu.memory_space<hbm>>
    tpu.wait_dma2 semaphore(%arg38 : memref<!tpu.dma_semaphore, #tpu.memory_space<semaphore_mem>>) src(%dma_wait3A_272 : memref<128xi32, #tpu.memory_space<hbm>>) dst(%arg19 : memref<128xi32, #tpu.memory_space<vmem>>)
    %dma_wait3A_273 = tpu.memref_slice %arg4[%add3A_246] : memref<81920xi32, #tpu.memory_space<hbm>> -> memref<128xi32, #tpu.memory_space<hbm>>
    %dma_wait3A_274 = tpu.memref_slice %arg4[%add3A_246] : memref<81920xi32, #tpu.memory_space<hbm>> -> memref<128xi32, #tpu.memory_space<hbm>>
    tpu.wait_dma2 semaphore(%arg38 : memref<!tpu.dma_semaphore, #tpu.memory_space<semaphore_mem>>) src(%dma_wait3A_274 : memref<128xi32, #tpu.memory_space<hbm>>) dst(%arg20 : memref<128xi32, #tpu.memory_space<vmem>>)
    %dma_wait3A_275 = tpu.memref_slice %arg4[%add3A_248] : memref<81920xi32, #tpu.memory_space<hbm>> -> memref<128xi32, #tpu.memory_space<hbm>>
    %dma_wait3A_276 = tpu.memref_slice %arg4[%add3A_248] : memref<81920xi32, #tpu.memory_space<hbm>> -> memref<128xi32, #tpu.memory_space<hbm>>
    tpu.wait_dma2 semaphore(%arg38 : memref<!tpu.dma_semaphore, #tpu.memory_space<semaphore_mem>>) src(%dma_wait3A_276 : memref<128xi32, #tpu.memory_space<hbm>>) dst(%arg21 : memref<128xi32, #tpu.memory_space<vmem>>)
    %dma_start3A_277 = arith.constant 0 : i32
    %dma_start3A_278 = arith.constant 0 : i32
    %dma_start3A_279 = tpu.memref_slice %arg5[%dma_start3A_277, %dma_start3A_278] : memref<100000x64xf32, #tpu.memory_space<hbm>> -> memref<100000x64xf32, #tpu.memory_space<hbm>>
    tpu.enqueue_indirect_dma source(%dma_start3A_279 : memref<100000x64xf32, #tpu.memory_space<hbm>>) target(%arg29 : memref<128x64xf32, #tpu.memory_space<vmem>>) offsets(%arg15 : memref<128xi32, #tpu.memory_space<vmem>>) semaphore(%arg38 : memref<!tpu.dma_semaphore, #tpu.memory_space<semaphore_mem>>)
    %dma_start3A_280 = arith.constant 0 : i32
    %dma_start3A_281 = arith.constant 0 : i32
    %dma_start3A_282 = tpu.memref_slice %arg6[%dma_start3A_280, %dma_start3A_281] : memref<100000x64xf32, #tpu.memory_space<hbm>> -> memref<100000x64xf32, #tpu.memory_space<hbm>>
    tpu.enqueue_indirect_dma source(%dma_start3A_282 : memref<100000x64xf32, #tpu.memory_space<hbm>>) target(%arg30 : memref<128x64xf32, #tpu.memory_space<vmem>>) offsets(%arg16 : memref<128xi32, #tpu.memory_space<vmem>>) semaphore(%arg38 : memref<!tpu.dma_semaphore, #tpu.memory_space<semaphore_mem>>)
    %dma_start3A_283 = arith.constant 0 : i32
    %dma_start3A_284 = arith.constant 0 : i32
    %dma_start3A_285 = tpu.memref_slice %arg6[%dma_start3A_283, %dma_start3A_284] : memref<100000x64xf32, #tpu.memory_space<hbm>> -> memref<100000x64xf32, #tpu.memory_space<hbm>>
    tpu.enqueue_indirect_dma source(%dma_start3A_285 : memref<100000x64xf32, #tpu.memory_space<hbm>>) target(%arg31 : memref<128x64xf32, #tpu.memory_space<vmem>>) offsets(%arg17 : memref<128xi32, #tpu.memory_space<vmem>>) semaphore(%arg38 : memref<!tpu.dma_semaphore, #tpu.memory_space<semaphore_mem>>)
    %dma_start3A_286 = arith.constant 0 : i32
    %dma_start3A_287 = arith.constant 0 : i32
    %dma_start3A_288 = tpu.memref_slice %arg6[%dma_start3A_286, %dma_start3A_287] : memref<100000x64xf32, #tpu.memory_space<hbm>> -> memref<100000x64xf32, #tpu.memory_space<hbm>>
    tpu.enqueue_indirect_dma source(%dma_start3A_288 : memref<100000x64xf32, #tpu.memory_space<hbm>>) target(%arg32 : memref<128x64xf32, #tpu.memory_space<vmem>>) offsets(%arg18 : memref<128xi32, #tpu.memory_space<vmem>>) semaphore(%arg38 : memref<!tpu.dma_semaphore, #tpu.memory_space<semaphore_mem>>)
    %dma_start3A_289 = arith.constant 0 : i32
    %dma_start3A_290 = arith.constant 0 : i32
    %dma_start3A_291 = tpu.memref_slice %arg6[%dma_start3A_289, %dma_start3A_290] : memref<100000x64xf32, #tpu.memory_space<hbm>> -> memref<100000x64xf32, #tpu.memory_space<hbm>>
    tpu.enqueue_indirect_dma source(%dma_start3A_291 : memref<100000x64xf32, #tpu.memory_space<hbm>>) target(%arg33 : memref<128x64xf32, #tpu.memory_space<vmem>>) offsets(%arg19 : memref<128xi32, #tpu.memory_space<vmem>>) semaphore(%arg38 : memref<!tpu.dma_semaphore, #tpu.memory_space<semaphore_mem>>)
    %dma_start3A_292 = arith.constant 0 : i32
    %dma_start3A_293 = arith.constant 0 : i32
    %dma_start3A_294 = tpu.memref_slice %arg6[%dma_start3A_292, %dma_start3A_293] : memref<100000x64xf32, #tpu.memory_space<hbm>> -> memref<100000x64xf32, #tpu.memory_space<hbm>>
    tpu.enqueue_indirect_dma source(%dma_start3A_294 : memref<100000x64xf32, #tpu.memory_space<hbm>>) target(%arg34 : memref<128x64xf32, #tpu.memory_space<vmem>>) offsets(%arg20 : memref<128xi32, #tpu.memory_space<vmem>>) semaphore(%arg38 : memref<!tpu.dma_semaphore, #tpu.memory_space<semaphore_mem>>)
    %dma_start3A_295 = arith.constant 0 : i32
    %dma_start3A_296 = arith.constant 0 : i32
    %dma_start3A_297 = tpu.memref_slice %arg6[%dma_start3A_295, %dma_start3A_296] : memref<100000x64xf32, #tpu.memory_space<hbm>> -> memref<100000x64xf32, #tpu.memory_space<hbm>>
    tpu.enqueue_indirect_dma source(%dma_start3A_297 : memref<100000x64xf32, #tpu.memory_space<hbm>>) target(%arg35 : memref<128x64xf32, #tpu.memory_space<vmem>>) offsets(%arg21 : memref<128xi32, #tpu.memory_space<vmem>>) semaphore(%arg38 : memref<!tpu.dma_semaphore, #tpu.memory_space<semaphore_mem>>)
    %dma_wait3A_298 = arith.constant 0 : i32
    %dma_wait3A_299 = arith.constant 0 : i32
    %dma_wait3A_300 = tpu.memref_slice %arg5[%dma_wait3A_298, %dma_wait3A_299] : memref<100000x64xf32, #tpu.memory_space<hbm>> -> memref<100000x64xf32, #tpu.memory_space<hbm>>
    tpu.wait_indirect_dma semaphore(%arg37 : memref<!tpu.dma_semaphore, #tpu.memory_space<semaphore_mem>>) src(%dma_wait3A_300 : memref<100000x64xf32, #tpu.memory_space<hbm>>) dst(%arg22 : memref<128x64xf32, #tpu.memory_space<vmem>>)
    %dma_wait3A_301 = arith.constant 0 : i32
    %dma_wait3A_302 = arith.constant 0 : i32
    %dma_wait3A_303 = tpu.memref_slice %arg6[%dma_wait3A_301, %dma_wait3A_302] : memref<100000x64xf32, #tpu.memory_space<hbm>> -> memref<100000x64xf32, #tpu.memory_space<hbm>>
    tpu.wait_indirect_dma semaphore(%arg37 : memref<!tpu.dma_semaphore, #tpu.memory_space<semaphore_mem>>) src(%dma_wait3A_303 : memref<100000x64xf32, #tpu.memory_space<hbm>>) dst(%arg23 : memref<128x64xf32, #tpu.memory_space<vmem>>)
    %dma_wait3A_304 = arith.constant 0 : i32
    %dma_wait3A_305 = arith.constant 0 : i32
    %dma_wait3A_306 = tpu.memref_slice %arg6[%dma_wait3A_304, %dma_wait3A_305] : memref<100000x64xf32, #tpu.memory_space<hbm>> -> memref<100000x64xf32, #tpu.memory_space<hbm>>
    tpu.wait_indirect_dma semaphore(%arg37 : memref<!tpu.dma_semaphore, #tpu.memory_space<semaphore_mem>>) src(%dma_wait3A_306 : memref<100000x64xf32, #tpu.memory_space<hbm>>) dst(%arg24 : memref<128x64xf32, #tpu.memory_space<vmem>>)
    %dma_wait3A_307 = arith.constant 0 : i32
    %dma_wait3A_308 = arith.constant 0 : i32
    %dma_wait3A_309 = tpu.memref_slice %arg6[%dma_wait3A_307, %dma_wait3A_308] : memref<100000x64xf32, #tpu.memory_space<hbm>> -> memref<100000x64xf32, #tpu.memory_space<hbm>>
    tpu.wait_indirect_dma semaphore(%arg37 : memref<!tpu.dma_semaphore, #tpu.memory_space<semaphore_mem>>) src(%dma_wait3A_309 : memref<100000x64xf32, #tpu.memory_space<hbm>>) dst(%arg25 : memref<128x64xf32, #tpu.memory_space<vmem>>)
    %dma_wait3A_310 = arith.constant 0 : i32
    %dma_wait3A_311 = arith.constant 0 : i32
    %dma_wait3A_312 = tpu.memref_slice %arg6[%dma_wait3A_310, %dma_wait3A_311] : memref<100000x64xf32, #tpu.memory_space<hbm>> -> memref<100000x64xf32, #tpu.memory_space<hbm>>
    tpu.wait_indirect_dma semaphore(%arg37 : memref<!tpu.dma_semaphore, #tpu.memory_space<semaphore_mem>>) src(%dma_wait3A_312 : memref<100000x64xf32, #tpu.memory_space<hbm>>) dst(%arg26 : memref<128x64xf32, #tpu.memory_space<vmem>>)
    %dma_wait3A_313 = arith.constant 0 : i32
    %dma_wait3A_314 = arith.constant 0 : i32
    %dma_wait3A_315 = tpu.memref_slice %arg6[%dma_wait3A_313, %dma_wait3A_314] : memref<100000x64xf32, #tpu.memory_space<hbm>> -> memref<100000x64xf32, #tpu.memory_space<hbm>>
    tpu.wait_indirect_dma semaphore(%arg37 : memref<!tpu.dma_semaphore, #tpu.memory_space<semaphore_mem>>) src(%dma_wait3A_315 : memref<100000x64xf32, #tpu.memory_space<hbm>>) dst(%arg27 : memref<128x64xf32, #tpu.memory_space<vmem>>)
    %dma_wait3A_316 = arith.constant 0 : i32
    %dma_wait3A_317 = arith.constant 0 : i32
    %dma_wait3A_318 = tpu.memref_slice %arg6[%dma_wait3A_316, %dma_wait3A_317] : memref<100000x64xf32, #tpu.memory_space<hbm>> -> memref<100000x64xf32, #tpu.memory_space<hbm>>
    tpu.wait_indirect_dma semaphore(%arg37 : memref<!tpu.dma_semaphore, #tpu.memory_space<semaphore_mem>>) src(%dma_wait3A_318 : memref<100000x64xf32, #tpu.memory_space<hbm>>) dst(%arg28 : memref<128x64xf32, #tpu.memory_space<vmem>>)
    %scan3A_319 = arith.constant 0 : i32
    %scan3A_320 = arith.constant 0 : i32
    %scan3A_321 = arith.constant 8 : i32
    %scan3A_322 = arith.addi %scan3A_320, %scan3A_321 : i32
    %scan3A_323 = arith.constant 1 : i32
    scf.for %scan3A_354 = %scan3A_320 to %scan3A_322 step %scan3A_323  : i32 {
      %mul3A_355 = arith.constant 16 : i32
      %mul3A_356 = arith.muli %scan3A_354, %mul3A_355 : i32
      %iota3A = tpu.iota {dimensions = array<i32: 0>} : vector<16xi32>
      %add3A_357 = vector.broadcast %mul3A_356 : i32 to vector<16xi32>
      %add3A_358 = arith.addi %add3A_357, %iota3A : vector<16xi32>
      %broadcast_in_dim3A = arith.constant 0.000000e+00 : f32
      %broadcast_in_dim3A_359 = vector.broadcast %broadcast_in_dim3A : f32 to vector<16xf32>
      %scan3A_360 = arith.constant 0 : i32
      %scan3A_361 = arith.constant 64 : i32
      %scan3A_362 = arith.addi %scan3A_360, %scan3A_361 : i32
      %scan3A_363 = arith.constant 2 : i32
      %scan3A_364:6 = scf.for %scan3A_407 = %scan3A_360 to %scan3A_362 step %scan3A_363 iter_args(%scan3A_408 = %broadcast_in_dim3A_359, %scan3A_409 = %broadcast_in_dim3A_359, %scan3A_410 = %broadcast_in_dim3A_359, %scan3A_411 = %broadcast_in_dim3A_359, %scan3A_412 = %broadcast_in_dim3A_359, %scan3A_413 = %broadcast_in_dim3A_359) -> (vector<16xf32>, vector<16xf32>, vector<16xf32>, vector<16xf32>, vector<16xf32>, vector<16xf32>)  : i32 {
        %broadcast_in_dim3A_414 = vector.broadcast %scan3A_407 : i32 to vector<16xi32>
        %gather3A = tpu.vector_load_idx %arg22[%add3A_358, %broadcast_in_dim3A_414] : memref<128x64xf32, #tpu.memory_space<vmem>>[vector<16xi32>, vector<16xi32>], vector<16xf32>,
        %gather3A_415 = tpu.vector_load_idx %arg23[%add3A_358, %broadcast_in_dim3A_414] : memref<128x64xf32, #tpu.memory_space<vmem>>[vector<16xi32>, vector<16xi32>], vector<16xf32>,
        %mul3A_416 = arith.mulf %gather3A, %gather3A_415 : vector<16xf32>
        %add3A_417 = arith.addf %scan3A_408, %mul3A_416 : vector<16xf32>
        %gather3A_418 = tpu.vector_load_idx %arg24[%add3A_358, %broadcast_in_dim3A_414] : memref<128x64xf32, #tpu.memory_space<vmem>>[vector<16xi32>, vector<16xi32>], vector<16xf32>,
        %mul3A_419 = arith.mulf %gather3A, %gather3A_418 : vector<16xf32>
        %add3A_420 = arith.addf %scan3A_409, %mul3A_419 : vector<16xf32>
        %gather3A_421 = tpu.vector_load_idx %arg25[%add3A_358, %broadcast_in_dim3A_414] : memref<128x64xf32, #tpu.memory_space<vmem>>[vector<16xi32>, vector<16xi32>], vector<16xf32>,
        %mul3A_422 = arith.mulf %gather3A, %gather3A_421 : vector<16xf32>
        %add3A_423 = arith.addf %scan3A_410, %mul3A_422 : vector<16xf32>
        %gather3A_424 = tpu.vector_load_idx %arg26[%add3A_358, %broadcast_in_dim3A_414] : memref<128x64xf32, #tpu.memory_space<vmem>>[vector<16xi32>, vector<16xi32>], vector<16xf32>,
        %mul3A_425 = arith.mulf %gather3A, %gather3A_424 : vector<16xf32>
        %add3A_426 = arith.addf %scan3A_411, %mul3A_425 : vector<16xf32>
        %gather3A_427 = tpu.vector_load_idx %arg27[%add3A_358, %broadcast_in_dim3A_414] : memref<128x64xf32, #tpu.memory_space<vmem>>[vector<16xi32>, vector<16xi32>], vector<16xf32>,
        %mul3A_428 = arith.mulf %gather3A, %gather3A_427 : vector<16xf32>
        %add3A_429 = arith.addf %scan3A_412, %mul3A_428 : vector<16xf32>
        %gather3A_430 = tpu.vector_load_idx %arg28[%add3A_358, %broadcast_in_dim3A_414] : memref<128x64xf32, #tpu.memory_space<vmem>>[vector<16xi32>, vector<16xi32>], vector<16xf32>,
        %mul3A_431 = arith.mulf %gather3A, %gather3A_430 : vector<16xf32>
        %add3A_432 = arith.addf %scan3A_413, %mul3A_431 : vector<16xf32>
        %scan3A_433 = arith.constant 1 : i32
        %scan3A_434 = arith.addi %scan3A_407, %scan3A_433 : i32
        %broadcast_in_dim3A_435 = vector.broadcast %scan3A_434 : i32 to vector<16xi32>
        %gather3A_436 = tpu.vector_load_idx %arg22[%add3A_358, %broadcast_in_dim3A_435] : memref<128x64xf32, #tpu.memory_space<vmem>>[vector<16xi32>, vector<16xi32>], vector<16xf32>,
        %gather3A_437 = tpu.vector_load_idx %arg23[%add3A_358, %broadcast_in_dim3A_435] : memref<128x64xf32, #tpu.memory_space<vmem>>[vector<16xi32>, vector<16xi32>], vector<16xf32>,
        %mul3A_438 = arith.mulf %gather3A_436, %gather3A_437 : vector<16xf32>
        %add3A_439 = arith.addf %add3A_417, %mul3A_438 : vector<16xf32>
        %gather3A_440 = tpu.vector_load_idx %arg24[%add3A_358, %broadcast_in_dim3A_435] : memref<128x64xf32, #tpu.memory_space<vmem>>[vector<16xi32>, vector<16xi32>], vector<16xf32>,
        %mul3A_441 = arith.mulf %gather3A_436, %gather3A_440 : vector<16xf32>
        %add3A_442 = arith.addf %add3A_420, %mul3A_441 : vector<16xf32>
        %gather3A_443 = tpu.vector_load_idx %arg25[%add3A_358, %broadcast_in_dim3A_435] : memref<128x64xf32, #tpu.memory_space<vmem>>[vector<16xi32>, vector<16xi32>], vector<16xf32>,
        %mul3A_444 = arith.mulf %gather3A_436, %gather3A_443 : vector<16xf32>
        %add3A_445 = arith.addf %add3A_423, %mul3A_444 : vector<16xf32>
        %gather3A_446 = tpu.vector_load_idx %arg26[%add3A_358, %broadcast_in_dim3A_435] : memref<128x64xf32, #tpu.memory_space<vmem>>[vector<16xi32>, vector<16xi32>], vector<16xf32>,
        %mul3A_447 = arith.mulf %gather3A_436, %gather3A_446 : vector<16xf32>
        %add3A_448 = arith.addf %add3A_426, %mul3A_447 : vector<16xf32>
        %gather3A_449 = tpu.vector_load_idx %arg27[%add3A_358, %broadcast_in_dim3A_435] : memref<128x64xf32, #tpu.memory_space<vmem>>[vector<16xi32>, vector<16xi32>], vector<16xf32>,
        %mul3A_450 = arith.mulf %gather3A_436, %gather3A_449 : vector<16xf32>
        %add3A_451 = arith.addf %add3A_429, %mul3A_450 : vector<16xf32>
        %gather3A_452 = tpu.vector_load_idx %arg28[%add3A_358, %broadcast_in_dim3A_435] : memref<128x64xf32, #tpu.memory_space<vmem>>[vector<16xi32>, vector<16xi32>], vector<16xf32>,
        %mul3A_453 = arith.mulf %gather3A_436, %gather3A_452 : vector<16xf32>
        %add3A_454 = arith.addf %add3A_432, %mul3A_453 : vector<16xf32>
        scf.yield %add3A_439, %add3A_442, %add3A_445, %add3A_448, %add3A_451, %add3A_454 : vector<16xf32>, vector<16xf32>, vector<16xf32>, vector<16xf32>, vector<16xf32>, vector<16xf32>
      }
      %scan3A_365 = arith.constant 64 : i32
      %mul3A_366 = arith.constant 16 : i32
      %mul3A_367 = arith.muli %scan3A_354, %mul3A_366 : i32
      %add3A_368 = arith.constant 256 : i32
      %add3A_369 = arith.addi %add3A_368, %mul3A_367 : i32
      %swap3A = arith.constant 0 : i32
      %swap3A_370 = arith.index_cast %swap3A : i32 to index
      %swap3A_371 = arith.index_cast %add3A_369 : i32 to index
      %swap3A_372 = tpu.vector_load %arg36[%swap3A_370, %swap3A_371] {strides = array<i32>} : memref<6x512xf32, #tpu.memory_space<vmem>>, vector<16xf32>,
      tpu.vector_store %arg36[%swap3A_370, %swap3A_371], %scan3A_364#0 {strides = array<i32>} : memref<6x512xf32, #tpu.memory_space<vmem>>, vector<16xf32>,
      %neg3A = arith.constant 0.000000e+00 : f32
      %neg3A_373 = vector.broadcast %neg3A : f32 to vector<16xf32>
      %neg3A_374 = arith.subf %neg3A_373, %scan3A_364#1 : vector<16xf32>
      %swap3A_375 = arith.constant 1 : i32
      %swap3A_376 = arith.index_cast %swap3A_375 : i32 to index
      %swap3A_377 = arith.index_cast %add3A_369 : i32 to index
      %swap3A_378 = tpu.vector_load %arg36[%swap3A_376, %swap3A_377] {strides = array<i32>} : memref<6x512xf32, #tpu.memory_space<vmem>>, vector<16xf32>,
      tpu.vector_store %arg36[%swap3A_376, %swap3A_377], %neg3A_374 {strides = array<i32>} : memref<6x512xf32, #tpu.memory_space<vmem>>, vector<16xf32>,
      %neg3A_379 = arith.constant 0.000000e+00 : f32
      %neg3A_380 = vector.broadcast %neg3A_379 : f32 to vector<16xf32>
      %neg3A_381 = arith.subf %neg3A_380, %scan3A_364#2 : vector<16xf32>
      %swap3A_382 = arith.constant 2 : i32
      %swap3A_383 = arith.index_cast %swap3A_382 : i32 to index
      %swap3A_384 = arith.index_cast %add3A_369 : i32 to index
      %swap3A_385 = tpu.vector_load %arg36[%swap3A_383, %swap3A_384] {strides = array<i32>} : memref<6x512xf32, #tpu.memory_space<vmem>>, vector<16xf32>,
      tpu.vector_store %arg36[%swap3A_383, %swap3A_384], %neg3A_381 {strides = array<i32>} : memref<6x512xf32, #tpu.memory_space<vmem>>, vector<16xf32>,
      %neg3A_386 = arith.constant 0.000000e+00 : f32
      %neg3A_387 = vector.broadcast %neg3A_386 : f32 to vector<16xf32>
      %neg3A_388 = arith.subf %neg3A_387, %scan3A_364#3 : vector<16xf32>
      %swap3A_389 = arith.constant 3 : i32
      %swap3A_390 = arith.index_cast %swap3A_389 : i32 to index
      %swap3A_391 = arith.index_cast %add3A_369 : i32 to index
      %swap3A_392 = tpu.vector_load %arg36[%swap3A_390, %swap3A_391] {strides = array<i32>} : memref<6x512xf32, #tpu.memory_space<vmem>>, vector<16xf32>,
      tpu.vector_store %arg36[%swap3A_390, %swap3A_391], %neg3A_388 {strides = array<i32>} : memref<6x512xf32, #tpu.memory_space<vmem>>, vector<16xf32>,
      %neg3A_393 = arith.constant 0.000000e+00 : f32
      %neg3A_394 = vector.broadcast %neg3A_393 : f32 to vector<16xf32>
      %neg3A_395 = arith.subf %neg3A_394, %scan3A_364#4 : vector<16xf32>
      %swap3A_396 = arith.constant 4 : i32
      %swap3A_397 = arith.index_cast %swap3A_396 : i32 to index
      %swap3A_398 = arith.index_cast %add3A_369 : i32 to index
      %swap3A_399 = tpu.vector_load %arg36[%swap3A_397, %swap3A_398] {strides = array<i32>} : memref<6x512xf32, #tpu.memory_space<vmem>>, vector<16xf32>,
      tpu.vector_store %arg36[%swap3A_397, %swap3A_398], %neg3A_395 {strides = array<i32>} : memref<6x512xf32, #tpu.memory_space<vmem>>, vector<16xf32>,
      %neg3A_400 = arith.constant 0.000000e+00 : f32
      %neg3A_401 = vector.broadcast %neg3A_400 : f32 to vector<16xf32>
      %neg3A_402 = arith.subf %neg3A_401, %scan3A_364#5 : vector<16xf32>
      %swap3A_403 = arith.constant 5 : i32
      %swap3A_404 = arith.index_cast %swap3A_403 : i32 to index
      %swap3A_405 = arith.index_cast %add3A_369 : i32 to index
      %swap3A_406 = tpu.vector_load %arg36[%swap3A_404, %swap3A_405] {strides = array<i32>} : memref<6x512xf32, #tpu.memory_space<vmem>>, vector<16xf32>,
      tpu.vector_store %arg36[%swap3A_404, %swap3A_405], %neg3A_402 {strides = array<i32>} : memref<6x512xf32, #tpu.memory_space<vmem>>, vector<16xf32>,
    }
    %scan3A_324 = arith.constant 8 : i32
    %dma_wait3A_325 = arith.constant 0 : i32
    %dma_wait3A_326 = arith.constant 0 : i32
    %dma_wait3A_327 = tpu.memref_slice %arg5[%dma_wait3A_325, %dma_wait3A_326] : memref<100000x64xf32, #tpu.memory_space<hbm>> -> memref<100000x64xf32, #tpu.memory_space<hbm>>
    tpu.wait_indirect_dma semaphore(%arg38 : memref<!tpu.dma_semaphore, #tpu.memory_space<semaphore_mem>>) src(%dma_wait3A_327 : memref<100000x64xf32, #tpu.memory_space<hbm>>) dst(%arg29 : memref<128x64xf32, #tpu.memory_space<vmem>>)
    %dma_wait3A_328 = arith.constant 0 : i32
    %dma_wait3A_329 = arith.constant 0 : i32
    %dma_wait3A_330 = tpu.memref_slice %arg6[%dma_wait3A_328, %dma_wait3A_329] : memref<100000x64xf32, #tpu.memory_space<hbm>> -> memref<100000x64xf32, #tpu.memory_space<hbm>>
    tpu.wait_indirect_dma semaphore(%arg38 : memref<!tpu.dma_semaphore, #tpu.memory_space<semaphore_mem>>) src(%dma_wait3A_330 : memref<100000x64xf32, #tpu.memory_space<hbm>>) dst(%arg30 : memref<128x64xf32, #tpu.memory_space<vmem>>)
    %dma_wait3A_331 = arith.constant 0 : i32
    %dma_wait3A_332 = arith.constant 0 : i32
    %dma_wait3A_333 = tpu.memref_slice %arg6[%dma_wait3A_331, %dma_wait3A_332] : memref<100000x64xf32, #tpu.memory_space<hbm>> -> memref<100000x64xf32, #tpu.memory_space<hbm>>
    tpu.wait_indirect_dma semaphore(%arg38 : memref<!tpu.dma_semaphore, #tpu.memory_space<semaphore_mem>>) src(%dma_wait3A_333 : memref<100000x64xf32, #tpu.memory_space<hbm>>) dst(%arg31 : memref<128x64xf32, #tpu.memory_space<vmem>>)
    %dma_wait3A_334 = arith.constant 0 : i32
    %dma_wait3A_335 = arith.constant 0 : i32
    %dma_wait3A_336 = tpu.memref_slice %arg6[%dma_wait3A_334, %dma_wait3A_335] : memref<100000x64xf32, #tpu.memory_space<hbm>> -> memref<100000x64xf32, #tpu.memory_space<hbm>>
    tpu.wait_indirect_dma semaphore(%arg38 : memref<!tpu.dma_semaphore, #tpu.memory_space<semaphore_mem>>) src(%dma_wait3A_336 : memref<100000x64xf32, #tpu.memory_space<hbm>>) dst(%arg32 : memref<128x64xf32, #tpu.memory_space<vmem>>)
    %dma_wait3A_337 = arith.constant 0 : i32
    %dma_wait3A_338 = arith.constant 0 : i32
    %dma_wait3A_339 = tpu.memref_slice %arg6[%dma_wait3A_337, %dma_wait3A_338] : memref<100000x64xf32, #tpu.memory_space<hbm>> -> memref<100000x64xf32, #tpu.memory_space<hbm>>
    tpu.wait_indirect_dma semaphore(%arg38 : memref<!tpu.dma_semaphore, #tpu.memory_space<semaphore_mem>>) src(%dma_wait3A_339 : memref<100000x64xf32, #tpu.memory_space<hbm>>) dst(%arg33 : memref<128x64xf32, #tpu.memory_space<vmem>>)
    %dma_wait3A_340 = arith.constant 0 : i32
    %dma_wait3A_341 = arith.constant 0 : i32
    %dma_wait3A_342 = tpu.memref_slice %arg6[%dma_wait3A_340, %dma_wait3A_341] : memref<100000x64xf32, #tpu.memory_space<hbm>> -> memref<100000x64xf32, #tpu.memory_space<hbm>>
    tpu.wait_indirect_dma semaphore(%arg38 : memref<!tpu.dma_semaphore, #tpu.memory_space<semaphore_mem>>) src(%dma_wait3A_342 : memref<100000x64xf32, #tpu.memory_space<hbm>>) dst(%arg34 : memref<128x64xf32, #tpu.memory_space<vmem>>)
    %dma_wait3A_343 = arith.constant 0 : i32
    %dma_wait3A_344 = arith.constant 0 : i32
    %dma_wait3A_345 = tpu.memref_slice %arg6[%dma_wait3A_343, %dma_wait3A_344] : memref<100000x64xf32, #tpu.memory_space<hbm>> -> memref<100000x64xf32, #tpu.memory_space<hbm>>
    tpu.wait_indirect_dma semaphore(%arg38 : memref<!tpu.dma_semaphore, #tpu.memory_space<semaphore_mem>>) src(%dma_wait3A_345 : memref<100000x64xf32, #tpu.memory_space<hbm>>) dst(%arg35 : memref<128x64xf32, #tpu.memory_space<vmem>>)
    %scan3A_346 = arith.constant 0 : i32
    %scan3A_347 = arith.constant 0 : i32
    %scan3A_348 = arith.constant 8 : i32
    %scan3A_349 = arith.addi %scan3A_347, %scan3A_348 : i32
    %scan3A_350 = arith.constant 1 : i32
    scf.for %scan3A_354 = %scan3A_347 to %scan3A_349 step %scan3A_350  : i32 {
      %mul3A_355 = arith.constant 16 : i32
      %mul3A_356 = arith.muli %scan3A_354, %mul3A_355 : i32
      %iota3A = tpu.iota {dimensions = array<i32: 0>} : vector<16xi32>
      %add3A_357 = vector.broadcast %mul3A_356 : i32 to vector<16xi32>
      %add3A_358 = arith.addi %add3A_357, %iota3A : vector<16xi32>
      %broadcast_in_dim3A = arith.constant 0.000000e+00 : f32
      %broadcast_in_dim3A_359 = vector.broadcast %broadcast_in_dim3A : f32 to vector<16xf32>
      %scan3A_360 = arith.constant 0 : i32
      %scan3A_361 = arith.constant 64 : i32
      %scan3A_362 = arith.addi %scan3A_360, %scan3A_361 : i32
      %scan3A_363 = arith.constant 2 : i32
      %scan3A_364:6 = scf.for %scan3A_407 = %scan3A_360 to %scan3A_362 step %scan3A_363 iter_args(%scan3A_408 = %broadcast_in_dim3A_359, %scan3A_409 = %broadcast_in_dim3A_359, %scan3A_410 = %broadcast_in_dim3A_359, %scan3A_411 = %broadcast_in_dim3A_359, %scan3A_412 = %broadcast_in_dim3A_359, %scan3A_413 = %broadcast_in_dim3A_359) -> (vector<16xf32>, vector<16xf32>, vector<16xf32>, vector<16xf32>, vector<16xf32>, vector<16xf32>)  : i32 {
        %broadcast_in_dim3A_414 = vector.broadcast %scan3A_407 : i32 to vector<16xi32>
        %gather3A = tpu.vector_load_idx %arg29[%add3A_358, %broadcast_in_dim3A_414] : memref<128x64xf32, #tpu.memory_space<vmem>>[vector<16xi32>, vector<16xi32>], vector<16xf32>,
        %gather3A_415 = tpu.vector_load_idx %arg30[%add3A_358, %broadcast_in_dim3A_414] : memref<128x64xf32, #tpu.memory_space<vmem>>[vector<16xi32>, vector<16xi32>], vector<16xf32>,
        %mul3A_416 = arith.mulf %gather3A, %gather3A_415 : vector<16xf32>
        %add3A_417 = arith.addf %scan3A_408, %mul3A_416 : vector<16xf32>
        %gather3A_418 = tpu.vector_load_idx %arg31[%add3A_358, %broadcast_in_dim3A_414] : memref<128x64xf32, #tpu.memory_space<vmem>>[vector<16xi32>, vector<16xi32>], vector<16xf32>,
        %mul3A_419 = arith.mulf %gather3A, %gather3A_418 : vector<16xf32>
        %add3A_420 = arith.addf %scan3A_409, %mul3A_419 : vector<16xf32>
        %gather3A_421 = tpu.vector_load_idx %arg32[%add3A_358, %broadcast_in_dim3A_414] : memref<128x64xf32, #tpu.memory_space<vmem>>[vector<16xi32>, vector<16xi32>], vector<16xf32>,
        %mul3A_422 = arith.mulf %gather3A, %gather3A_421 : vector<16xf32>
        %add3A_423 = arith.addf %scan3A_410, %mul3A_422 : vector<16xf32>
        %gather3A_424 = tpu.vector_load_idx %arg33[%add3A_358, %broadcast_in_dim3A_414] : memref<128x64xf32, #tpu.memory_space<vmem>>[vector<16xi32>, vector<16xi32>], vector<16xf32>,
        %mul3A_425 = arith.mulf %gather3A, %gather3A_424 : vector<16xf32>
        %add3A_426 = arith.addf %scan3A_411, %mul3A_425 : vector<16xf32>
        %gather3A_427 = tpu.vector_load_idx %arg34[%add3A_358, %broadcast_in_dim3A_414] : memref<128x64xf32, #tpu.memory_space<vmem>>[vector<16xi32>, vector<16xi32>], vector<16xf32>,
        %mul3A_428 = arith.mulf %gather3A, %gather3A_427 : vector<16xf32>
        %add3A_429 = arith.addf %scan3A_412, %mul3A_428 : vector<16xf32>
        %gather3A_430 = tpu.vector_load_idx %arg35[%add3A_358, %broadcast_in_dim3A_414] : memref<128x64xf32, #tpu.memory_space<vmem>>[vector<16xi32>, vector<16xi32>], vector<16xf32>,
        %mul3A_431 = arith.mulf %gather3A, %gather3A_430 : vector<16xf32>
        %add3A_432 = arith.addf %scan3A_413, %mul3A_431 : vector<16xf32>
        %scan3A_433 = arith.constant 1 : i32
        %scan3A_434 = arith.addi %scan3A_407, %scan3A_433 : i32
        %broadcast_in_dim3A_435 = vector.broadcast %scan3A_434 : i32 to vector<16xi32>
        %gather3A_436 = tpu.vector_load_idx %arg29[%add3A_358, %broadcast_in_dim3A_435] : memref<128x64xf32, #tpu.memory_space<vmem>>[vector<16xi32>, vector<16xi32>], vector<16xf32>,
        %gather3A_437 = tpu.vector_load_idx %arg30[%add3A_358, %broadcast_in_dim3A_435] : memref<128x64xf32, #tpu.memory_space<vmem>>[vector<16xi32>, vector<16xi32>], vector<16xf32>,
        %mul3A_438 = arith.mulf %gather3A_436, %gather3A_437 : vector<16xf32>
        %add3A_439 = arith.addf %add3A_417, %mul3A_438 : vector<16xf32>
        %gather3A_440 = tpu.vector_load_idx %arg31[%add3A_358, %broadcast_in_dim3A_435] : memref<128x64xf32, #tpu.memory_space<vmem>>[vector<16xi32>, vector<16xi32>], vector<16xf32>,
        %mul3A_441 = arith.mulf %gather3A_436, %gather3A_440 : vector<16xf32>
        %add3A_442 = arith.addf %add3A_420, %mul3A_441 : vector<16xf32>
        %gather3A_443 = tpu.vector_load_idx %arg32[%add3A_358, %broadcast_in_dim3A_435] : memref<128x64xf32, #tpu.memory_space<vmem>>[vector<16xi32>, vector<16xi32>], vector<16xf32>,
        %mul3A_444 = arith.mulf %gather3A_436, %gather3A_443 : vector<16xf32>
        %add3A_445 = arith.addf %add3A_423, %mul3A_444 : vector<16xf32>
        %gather3A_446 = tpu.vector_load_idx %arg33[%add3A_358, %broadcast_in_dim3A_435] : memref<128x64xf32, #tpu.memory_space<vmem>>[vector<16xi32>, vector<16xi32>], vector<16xf32>,
        %mul3A_447 = arith.mulf %gather3A_436, %gather3A_446 : vector<16xf32>
        %add3A_448 = arith.addf %add3A_426, %mul3A_447 : vector<16xf32>
        %gather3A_449 = tpu.vector_load_idx %arg34[%add3A_358, %broadcast_in_dim3A_435] : memref<128x64xf32, #tpu.memory_space<vmem>>[vector<16xi32>, vector<16xi32>], vector<16xf32>,
        %mul3A_450 = arith.mulf %gather3A_436, %gather3A_449 : vector<16xf32>
        %add3A_451 = arith.addf %add3A_429, %mul3A_450 : vector<16xf32>
        %gather3A_452 = tpu.vector_load_idx %arg35[%add3A_358, %broadcast_in_dim3A_435] : memref<128x64xf32, #tpu.memory_space<vmem>>[vector<16xi32>, vector<16xi32>], vector<16xf32>,
        %mul3A_453 = arith.mulf %gather3A_436, %gather3A_452 : vector<16xf32>
        %add3A_454 = arith.addf %add3A_432, %mul3A_453 : vector<16xf32>
        scf.yield %add3A_439, %add3A_442, %add3A_445, %add3A_448, %add3A_451, %add3A_454 : vector<16xf32>, vector<16xf32>, vector<16xf32>, vector<16xf32>, vector<16xf32>, vector<16xf32>
      }
      %scan3A_365 = arith.constant 64 : i32
      %mul3A_366 = arith.constant 16 : i32
      %mul3A_367 = arith.muli %scan3A_354, %mul3A_366 : i32
      %add3A_368 = arith.constant 384 : i32
      %add3A_369 = arith.addi %add3A_368, %mul3A_367 : i32
      %swap3A = arith.constant 0 : i32
      %swap3A_370 = arith.index_cast %swap3A : i32 to index
      %swap3A_371 = arith.index_cast %add3A_369 : i32 to index
      %swap3A_372 = tpu.vector_load %arg36[%swap3A_370, %swap3A_371] {strides = array<i32>} : memref<6x512xf32, #tpu.memory_space<vmem>>, vector<16xf32>,
      tpu.vector_store %arg36[%swap3A_370, %swap3A_371], %scan3A_364#0 {strides = array<i32>} : memref<6x512xf32, #tpu.memory_space<vmem>>, vector<16xf32>,
      %neg3A = arith.constant 0.000000e+00 : f32
      %neg3A_373 = vector.broadcast %neg3A : f32 to vector<16xf32>
      %neg3A_374 = arith.subf %neg3A_373, %scan3A_364#1 : vector<16xf32>
      %swap3A_375 = arith.constant 1 : i32
      %swap3A_376 = arith.index_cast %swap3A_375 : i32 to index
      %swap3A_377 = arith.index_cast %add3A_369 : i32 to index
      %swap3A_378 = tpu.vector_load %arg36[%swap3A_376, %swap3A_377] {strides = array<i32>} : memref<6x512xf32, #tpu.memory_space<vmem>>, vector<16xf32>,
      tpu.vector_store %arg36[%swap3A_376, %swap3A_377], %neg3A_374 {strides = array<i32>} : memref<6x512xf32, #tpu.memory_space<vmem>>, vector<16xf32>,
      %neg3A_379 = arith.constant 0.000000e+00 : f32
      %neg3A_380 = vector.broadcast %neg3A_379 : f32 to vector<16xf32>
      %neg3A_381 = arith.subf %neg3A_380, %scan3A_364#2 : vector<16xf32>
      %swap3A_382 = arith.constant 2 : i32
      %swap3A_383 = arith.index_cast %swap3A_382 : i32 to index
      %swap3A_384 = arith.index_cast %add3A_369 : i32 to index
      %swap3A_385 = tpu.vector_load %arg36[%swap3A_383, %swap3A_384] {strides = array<i32>} : memref<6x512xf32, #tpu.memory_space<vmem>>, vector<16xf32>,
      tpu.vector_store %arg36[%swap3A_383, %swap3A_384], %neg3A_381 {strides = array<i32>} : memref<6x512xf32, #tpu.memory_space<vmem>>, vector<16xf32>,
      %neg3A_386 = arith.constant 0.000000e+00 : f32
      %neg3A_387 = vector.broadcast %neg3A_386 : f32 to vector<16xf32>
      %neg3A_388 = arith.subf %neg3A_387, %scan3A_364#3 : vector<16xf32>
      %swap3A_389 = arith.constant 3 : i32
      %swap3A_390 = arith.index_cast %swap3A_389 : i32 to index
      %swap3A_391 = arith.index_cast %add3A_369 : i32 to index
      %swap3A_392 = tpu.vector_load %arg36[%swap3A_390, %swap3A_391] {strides = array<i32>} : memref<6x512xf32, #tpu.memory_space<vmem>>, vector<16xf32>,
      tpu.vector_store %arg36[%swap3A_390, %swap3A_391], %neg3A_388 {strides = array<i32>} : memref<6x512xf32, #tpu.memory_space<vmem>>, vector<16xf32>,
      %neg3A_393 = arith.constant 0.000000e+00 : f32
      %neg3A_394 = vector.broadcast %neg3A_393 : f32 to vector<16xf32>
      %neg3A_395 = arith.subf %neg3A_394, %scan3A_364#4 : vector<16xf32>
      %swap3A_396 = arith.constant 4 : i32
      %swap3A_397 = arith.index_cast %swap3A_396 : i32 to index
      %swap3A_398 = arith.index_cast %add3A_369 : i32 to index
      %swap3A_399 = tpu.vector_load %arg36[%swap3A_397, %swap3A_398] {strides = array<i32>} : memref<6x512xf32, #tpu.memory_space<vmem>>, vector<16xf32>,
      tpu.vector_store %arg36[%swap3A_397, %swap3A_398], %neg3A_395 {strides = array<i32>} : memref<6x512xf32, #tpu.memory_space<vmem>>, vector<16xf32>,
      %neg3A_400 = arith.constant 0.000000e+00 : f32
      %neg3A_401 = vector.broadcast %neg3A_400 : f32 to vector<16xf32>
      %neg3A_402 = arith.subf %neg3A_401, %scan3A_364#5 : vector<16xf32>
      %swap3A_403 = arith.constant 5 : i32
      %swap3A_404 = arith.index_cast %swap3A_403 : i32 to index
      %swap3A_405 = arith.index_cast %add3A_369 : i32 to index
      %swap3A_406 = tpu.vector_load %arg36[%swap3A_404, %swap3A_405] {strides = array<i32>} : memref<6x512xf32, #tpu.memory_space<vmem>>, vector<16xf32>,
      tpu.vector_store %arg36[%swap3A_404, %swap3A_405], %neg3A_402 {strides = array<i32>} : memref<6x512xf32, #tpu.memory_space<vmem>>, vector<16xf32>,
    }
    %scan3A_351 = arith.constant 8 : i32
    %mul3A_352 = arith.constant 6 : i32
    %mul3A_353 = arith.muli %add3A, %mul3A_352 : i32
    "tpu.region"() ({
      %run_scoped3A = tpu.sem_alloc : memref<!tpu.dma_semaphore, #tpu.memory_space<semaphore_mem>>
      %dma_start3A_354 = arith.constant 0 : i32
      %dma_start3A_355 = tpu.memref_slice %arg7[%mul3A_353, %dma_start3A_354] : memref<192x512xf32, #tpu.memory_space<hbm>> -> memref<6x512xf32, #tpu.memory_space<hbm>>
      %dma_start3A_356 = arith.constant 0 : i32
      %dma_start3A_357 = tpu.memref_slice %arg7[%mul3A_353, %dma_start3A_356] : memref<192x512xf32, #tpu.memory_space<hbm>> -> memref<6x512xf32, #tpu.memory_space<hbm>>
      tpu.enqueue_dma source(%arg36 : memref<6x512xf32, #tpu.memory_space<vmem>>) target(%dma_start3A_357 : memref<6x512xf32, #tpu.memory_space<hbm>>) target_semaphore(%run_scoped3A : memref<!tpu.dma_semaphore, #tpu.memory_space<semaphore_mem>>)
      %dma_wait3A_358 = arith.constant 0 : i32
      %dma_wait3A_359 = tpu.memref_slice %arg7[%mul3A_353, %dma_wait3A_358] : memref<192x512xf32, #tpu.memory_space<hbm>> -> memref<6x512xf32, #tpu.memory_space<hbm>>
      %dma_wait3A_360 = arith.constant 0 : i32
      %dma_wait3A_361 = tpu.memref_slice %arg7[%mul3A_353, %dma_wait3A_360] : memref<192x512xf32, #tpu.memory_space<hbm>> -> memref<6x512xf32, #tpu.memory_space<hbm>>
      tpu.wait_dma2 semaphore(%run_scoped3A : memref<!tpu.dma_semaphore, #tpu.memory_space<semaphore_mem>>) src(%arg36 : memref<6x512xf32, #tpu.memory_space<vmem>>) dst(%dma_wait3A_361 : memref<6x512xf32, #tpu.memory_space<hbm>>)
      tpu.yield
    }) : () -> ()
    return
  }
}

module attributes {stable_mosaic.version = 14 : i64} {
  func.func @body(%arg0: memref<192x512xf32, #tpu.memory_space<vmem>>, %arg1: memref<1x1xf32, #tpu.memory_space<smem>>) attributes {dimension_semantics = [], scalar_prefetch = 0 : i64, scratch_operands = 0 : i64, tpu.core_type = #tpu.core_type<tc>} {
    %get3A = arith.constant 0 : index
    %get3A_0 = arith.constant 0 : index
    %get3A_1 = vector.load %arg0[%get3A, %get3A_0] : memref<192x512xf32, #tpu.memory_space<vmem>>, vector<192x512xf32>
    %neg3A = arith.constant 0.000000e+00 : f32
    %neg3A_2 = vector.broadcast %neg3A : f32 to vector<192x512xf32>
    %neg3A_3 = arith.subf %neg3A_2, %get3A_1 : vector<192x512xf32>
    %custom_jvp_call3A = arith.constant 0.000000e+00 : f32
    %max3A = vector.broadcast %custom_jvp_call3A : f32 to vector<192x512xf32>
    %max3A_4 = arith.maximumf %neg3A_3, %max3A : vector<192x512xf32>
    %sub3A = vector.broadcast %custom_jvp_call3A : f32 to vector<192x512xf32>
    %sub3A_5 = arith.subf %neg3A_3, %sub3A : vector<192x512xf32>
    %ne3A = arith.cmpf one, %sub3A_5, %sub3A_5 : vector<192x512xf32>
    %add3A = vector.broadcast %custom_jvp_call3A : f32 to vector<192x512xf32>
    %add3A_6 = arith.addf %neg3A_3, %add3A : vector<192x512xf32>
    %abs3A = math.absf %sub3A_5 : vector<192x512xf32>
    %neg3A_7 = arith.constant 0.000000e+00 : f32
    %neg3A_8 = vector.broadcast %neg3A_7 : f32 to vector<192x512xf32>
    %neg3A_9 = arith.subf %neg3A_8, %abs3A : vector<192x512xf32>
    %exp3A = math.exp %neg3A_9 : vector<192x512xf32>
    %log1p3A = math.log1p %exp3A : vector<192x512xf32>
    %add3A_10 = arith.addf %max3A_4, %log1p3A : vector<192x512xf32>
    %select_n3A = arith.select %ne3A, %add3A_6, %add3A_10 : vector<192x512xi1>, vector<192x512xf32>
    %neg3A_11 = arith.constant 0.000000e+00 : f32
    %neg3A_12 = vector.broadcast %neg3A_11 : f32 to vector<192x512xf32>
    %neg3A_13 = arith.subf %neg3A_12, %select_n3A : vector<192x512xf32>
    %reduce_sum3A = vector.shape_cast %neg3A_13 : vector<192x512xf32> to vector<1x192x512xf32>
    %reduce_sum3A_14 = arith.constant dense<0.000000e+00> : vector<1xf32>
    %reduce_sum3A_15 = vector.multi_reduction <add>, %reduce_sum3A, %reduce_sum3A_14 [1, 2] : vector<1x192x512xf32> to vector<1xf32>
    %reduce_sum3A_16 = vector.shape_cast %reduce_sum3A_15 : vector<1xf32> to vector<1x1x1xf32>
    %reduce_sum3A_17 = vector.extract %reduce_sum3A_16[0, 0, 0] : f32 from vector<1x1x1xf32>
    %neg3A_18 = arith.constant 0.000000e+00 : f32
    %neg3A_19 = arith.subf %neg3A_18, %reduce_sum3A_17 : f32
    %div3A = arith.constant 1.638400e+04 : f32
    %div3A_20 = arith.divf %neg3A_19, %div3A : f32
    %swap3A = arith.constant 0 : index
    %swap3A_21 = arith.constant 0 : index
    %swap3A_22 = memref.load %arg1[%swap3A, %swap3A_21] : memref<1x1xf32, #tpu.memory_space<smem>>
    memref.store %div3A_20, %arg1[%swap3A, %swap3A_21] : memref<1x1xf32, #tpu.memory_space<smem>>
    return
  }
}

</mosaic_0001>

<sc_bundles>
// kernel: kernel.4.cloned.1.call-start
scs
__scs_entry_jumppad:
0x0: {  	(pc) =	sbr.rel $0x88, $3  }
0x1: {  	(tag) =	ssettag $0x0;
	lr =	simm.s32 $0x1  }
0x2: {  	[smem:$0x3F9C] =	sst lr;
	_ =	strace $0xD0000000  }
0x3: {  	_ = 	snop  }
0x4: {  	_ = 	snop  }
0x5: {  	_ = 	snop  }
0x6: {  	_ = 	snop  }
0x7: {  	_ = 	snop  }
__scs_overlays_trampoline_lowered:
0x8: {  	[smem:$0x3FAB] =	sst s0  }
0x9: {  	[smem:$0x3FAC] =	sst s1  }
0xa: {  	[smem:$0x3FAD] =	sst s2  }
0xb: {  	[smem:$0x3FAE] =	sst s3  }
0xc: {  	[smem:$0x3FAF] =	sst s4  }
0xd: {  	[smem:$0x3FB0] =	sst s5  }
0xe: {  	[smem:$0x3FB1] =	sst s6  }
0xf: {  	[smem:$0x3FB2] =	sst s7  }
0x10: {  	[smem:$0x3FB3] =	sst s8  }
0x11: {  	[smem:$0x3FB4] =	sst s9;
	s0 =	simm.s32 @!p0 $0x0  }
0x12: {  	s1 =	sld [smem:$0x3F9A];
	s0 =	simm.s32 @p0 $0x1  }
0x13: {  	[smem:$0x3FB5] =	sst s0;
	s0 =	simm.s32 @!p1 $0x0  }
0x14: {  	s2 =	sld [smem:$0x3F99];
	s0 =	simm.s32 @p1 $0x1  }
0x15: {  	[smem:$0x3FB6] =	sst s0;
	s0 =	simm.s32 @!p2 $0x0  }
0x16: {  	s3 =	sld [smem:$0x3FDB];
	s0 =	simm.s32 @p2 $0x1  }
0x17: {  	s4 =	simm.s32 $0x1BF5;
	[smem:$0x3FB8] =	sst s0  }
0x18: {  	s0 =	sld [smem:$0x3F9B];
	_ =	swait.ge [sflag:s4], $0x0  }
0x19: {  	s7 =	sld [smem:$0x3F9C]  }
0x1a: {  	s8 =	sadd.s32 $0xFFFFE003, lr  }
0x1b: {  	s9 =	sadd.s32 $0xFFFFFEF7, lr;
	s5 =	simm.s32 $0xFFFFFFFF;
	p2 =	slt.u32 s8, $0xFFFFF086  }
0x1c: {  	p1 =	slt.u32 s9, $0xF7A;
	s5 =	simm.s32 @!p2 $0x0  }
0x1d: {  	s5 =	simm.s32 @p1 $0x1;
	p0 =	seq.s32 s7, s2  }
0x1e: {  	s7 =	smul.u32 @!p0 $0xF7A, s2;
	p2 =	seq.s32 @!p0 s5, $0x0  }
0x1f: {  	s9 =	smul.u32 $0xF7A, s1;
	s8 =	simm.s32 @!p0 $0x1BF5;
	p2 =	por !p2, p0  }
0x20: {  	[sflag:s8] =	ssyncset.s32 @!p0 $0xFFFFF086;
	s6 =	sadd.s32 @!p0 s3, s7;
	s7 =	simm.s32 @!p0 $0x108  }
0x21: {  	s3 =	sadd.s32 s3, s9;
	s6 =	sadd.s32 @!p0 $0x88, s6;
	s7 =	simm.s32 @p2 $0x1082  }
0x22: {  	[simem:s7], [sflag:s8] =	dma.local @!p0 [hbm:s6], $0xF7A  }
0x23: {  	s9 =	sor.u32 $0xD0000000, s2;
	s6 =	simm.s32 $0x108;
	_ =	swait.ge @!p0 [sflag:s8], $0x0  }
0x24: {  	s3 =	sadd.s32 $0x88, s3;
	s6 =	simm.s32 @!p1 $0x1082;
	[sflag:s4] =	ssyncset.s32 $0xFFFFF086  }
0x25: {  	[simem:s6], [sflag:s4] =	dma.local [hbm:s3], $0xF7A  }
0x26: {  	[smem:$0x3F9C] =	sst s1;
	(tag) =	ssettag s2;
	_ =	strace s9  }
0x27: {  	s1 =	sld [smem:$0x3FAC]  }
0x28: {  	s2 =	sld [smem:$0x3FAD]  }
0x29: {  	s4 =	sld [smem:$0x3FAF]  }
0x2a: {  	p0 =	seq.s32 s5, $0x0;
	s5 =	sld [smem:$0x3FB0]  }
0x2b: {  	s6 =	sld [smem:$0x3FB1]  }
0x2c: {  	s7 =	sld [smem:$0x3FB2]  }
0x2d: {  	s3 =	simm.s32 $0x108;
	s8 =	sld [smem:$0x3FB3]  }
0x2e: {  	s3 =	simm.s32 @!p0 $0x1082;
	s9 =	sld [smem:$0x3FB4]  }
0x2f: {  	lr =	sadd.s32 s0, s3;
	s0 =	sld [smem:$0x3FAB]  }
0x30: {  	s3 =	sld [smem:$0x3FAE]  }
0x31: {  	[smem:$0x3FB7] =	sst s10  }
0x32: {  	s10 =	sld [smem:$0x3FB5];
	_ =	sdelay $0x3  }
0x33: {  	p0 =	seq.s32 s10, $0x1;
	s10 =	sld [smem:$0x3FB7];
	_ =	sdelay $0x3  }
0x34: {  	[smem:$0x3FB7] =	sst s10  }
0x35: {  	s10 =	sld [smem:$0x3FB6];
	_ =	sdelay $0x3  }
0x36: {  	p1 =	seq.s32 s10, $0x1;
	s10 =	sld [smem:$0x3FB7];
	_ =	sdelay $0x3  }
0x37: {  	[smem:$0x3FB7] =	sst s10  }
0x38: {  	s10 =	sld [smem:$0x3FB8]  }
0x39: {  	_ = 	snop;
	(pc) =	sbr.ind lr, $3  }
0x3a: {  	_ = 	snop  }
0x3b: {  	_ = 	snop  }
0x3c: {  	p2 =	seq.s32 s10, $0x1;
	s10 =	sld [smem:$0x3FB7]  }
0x3d: {  	_ =	shalt  }
0x3e: {  	_ =	shalt  }
0x3f: {  	_ =	shalt  }
0x40: {  	_ =	shalt  }
0x41: {  	_ =	shalt  }
0x42: {  	_ =	shalt  }
0x43: {  	_ =	shalt  }
0x44: {  	_ =	shalt  }
0x45: {  	_ =	shalt  }
0x46: {  	_ =	shalt  }
0x47: {  	_ =	shalt  }
0x48: {  	_ =	shalt  }
0x49: {  	_ =	shalt  }
0x4a: {  	_ =	shalt  }
0x4b: {  	_ =	shalt  }
0x4c: {  	_ =	shalt  }
0x4d: {  	_ =	shalt  }
0x4e: {  	_ =	shalt  }
0x4f: {  	_ =	shalt  }
0x50: {  	_ =	shalt  }
0x51: {  	_ =	shalt  }
0x52: {  	_ =	shalt  }
0x53: {  	_ =	shalt  }
0x54: {  	_ =	shalt  }
0x55: {  	_ =	shalt  }
0x56: {  	_ =	shalt  }
0x57: {  	_ =	shalt  }
0x58: {  	_ =	shalt  }
0x59: {  	_ =	shalt  }
0x5a: {  	_ =	shalt  }
0x5b: {  	_ =	shalt  }
0x5c: {  	_ =	shalt  }
0x5d: {  	_ =	shalt  }
0x5e: {  	_ =	shalt  }
0x5f: {  	_ =	shalt  }
0x60: {  	_ =	shalt  }
0x61: {  	_ =	shalt  }
0x62: {  	_ =	shalt  }
0x63: {  	_ =	shalt  }
0x64: {  	_ =	shalt  }
0x65: {  	_ =	shalt  }
0x66: {  	_ =	shalt  }
0x67: {  	_ =	shalt  }
0x68: {  	_ =	shalt  }
0x69: {  	_ =	shalt  }
0x6a: {  	_ =	shalt  }
0x6b: {  	_ =	shalt  }
0x6c: {  	_ =	shalt  }
0x6d: {  	_ =	shalt  }
0x6e: {  	_ =	shalt  }
0x6f: {  	_ =	shalt  }
0x70: {  	_ =	shalt  }
0x71: {  	_ =	shalt  }
0x72: {  	_ =	shalt  }
0x73: {  	_ =	shalt  }
0x74: {  	_ =	shalt  }
0x75: {  	_ =	shalt  }
0x76: {  	_ =	shalt  }
0x77: {  	_ =	shalt  }
0x78: {  	_ =	shalt  }
0x79: {  	_ =	shalt  }
0x7a: {  	_ =	shalt  }
0x7b: {  	_ =	shalt  }
0x7c: {  	_ =	shalt  }
0x7d: {  	_ =	shalt  }
0x7e: {  	_ =	shalt  }
0x7f: {  	_ =	shalt  }
0x80: {  	_ =	shalt  }
0x81: {  	_ =	shalt  }
0x82: {  	_ =	shalt  }
0x83: {  	_ =	shalt  }
0x84: {  	_ =	shalt  }
0x85: {  	_ =	shalt  }
0x86: {  	_ =	shalt  }
0x87: {  	_ =	shalt  }
.Lfunc_end0:
.L_simem_size_0:
called_computation_lowered:
.L_overlay_start_0:
0x88: {  	s2 =	sld [smem:$0x3FD9]  }
0x89: {  	s3 =	sld [smem:$0x3FFE];
	_ =	sdelay $0x1  }
0x8a: {  	s1 =	srdreg.scid  }
0x8b: {  	s0 =	sand.u32 $0x1, s1  }
0x8c: {  	s17 =	sshll.u32 s0, $0xA;
	s2 =	sadd.s32 s3, s2  }
0x8d: {  	s2 =	sadd.s32 s2, s17  }
0x8e: {  	[smem:$0x3FC3] =	sst s2  }
0x8f: {  	_ = 	snop  }
0x90: {  	s2 =	sld [smem:$0x3FC9]  }
0x91: {  	s18 =	sld [smem:$0x3FC8];
	(tm) =	ssettm $0x1  }
0x92: {  	s4 =	sld [smem:$0x3FFB];
	_ =	sdelay $0x3  }
0x93: {  	_ =	strace s4  }
0x94: {  	s4 =	sld [smem:$0x3FFC];
	_ =	sdelay $0x3  }
0x95: {  	_ =	strace s4  }
0x96: {  	s4 =	sld [smem:$0x3FFD];
	_ =	sdelay $0x3  }
0x97: {  	_ =	strace s4  }
0x98: {  	_ =	strace $0x8FFFFFFF  }
0x99: {  	s19 =	sld [smem:$0x3FDB];
	_ =	sdelay $0x1  }
0x9a: {  	s5 =	simm.s32 $_scs_section_size  }
0x9b: {  	s6 =	simm.s32 $_size__tile_overlayer_lowered;
	s7 =	simm.s32 $_tile_overlayer_lowered  }
0x9c: {  	s22 =	simm.s32 $0x1BFF;
	s21 =	sshll.u32 s7, $0x1;
	s4 =	sadd.s32 s5, s19  }
0x9d: {  	s8 =	simm.s32 $0x0;
	s20 =	sshll.u32 s6, $0x1;
	s6 =	sadd.s32 s21, s4  }
0x9e: {  	[timem:s8], [sflag:s22] =	dma.local [hbm:s6], s20  }
0x9f: {  	_ =	swait.ge [sflag:s22], s20  }
0xa0: {  	s5 =	ssub.s32 $0x0, s20;
	[sflag:s22] =	ssyncset.done $0x0  }
0xa1: {  	[sflag:s22] =	ssyncadd.s32 s5;
	_ =	sdelay $0x1  }
0xa2: {  	s23 =	simm.s32 $0x1B8B  }
0xa3: {  	_ =	swait.ge [sflag:s23], $0x1  }
0xa4: {  	[sflag:s23] =	ssyncset.done $0x0  }
0xa5: {  	s25 =	simm.s32 $0x1B8E;
	s24 =	sld [smem:$0x3FFE];
	[sflag:s23] =	ssyncadd.s32 $0xFFFFFFFF  }
0xa6: {  	s26 =	simm.s32 $execute0_lowered;
	[smem:$0x3FD2] =	sst s25  }
0xa7: {  	s6 =	sshll.u32 s26, $0x1;
	_ =	strace $0x80000046;
	[dreg:$0x1] =	wrdreg $0xFFFFFFFF  }
0xa8: {  	s28 =	simm.s32 $_size_execute0_lowered;
	s4 =	sadd.s32 s4, s6;
	[dreg:$0x0] =	wrdreg $0x0  }
0xa9: {  	s6 =	sshll.u32 s28, $0x1;
	[dreg:$0x2] =	wrdreg s4  }
0xaa: {  	[dreg:$0x3] =	wrdreg s6  }
0xab: {  	[dreg:$0x4] =	wrdreg $0xC0  }
0xac: {  	_ =	task [dreg:s8], $0x5FFFF  }
0xad: {  	[dreg:$0x1] =	wrdreg $0xFFFFFFFF  }
0xae: {  	[dreg:$0x0] =	wrdreg $0x60  }
0xaf: {  	[dreg:$0x2] =	wrdreg s2  }
0xb0: {  	[dreg:$0x3] =	wrdreg s18  }
0xb1: {  	[dreg:$0x4] =	wrdreg s24  }
0xb2: {  	[dreg:$0x5] =	wrdreg $0x9  }
0xb3: {  	_ =	task.clear_ibuf [dreg:s8], $0x6FFFF;
	_ =	strace $0x90000046  }
0xb4: {  	s29 =	simm.s32 $0x9;
	_ =	strace $0x80000048  }
0xb5: {  	_ =	swait.ge [sflag:s29], $0x1  }
0xb6: {  	[sflag:s29] =	ssyncadd.s32 $0xFFFFFFFF  }
0xb7: {  	_ =	strace $0x90000048  }
0xb8: {  	_ =	sfence  }
0xb9: {  	s30 =	sld [smem:$0x0];
	_ =	sdelay $0x2  }
0xba: {  	s31 =	sshll.u32 s1, $0xD;
	s1 =	sshrl.u32 s1, $0x2  }
0xbb: {  	s3 =	sand.u32 $0x4000, s31;
	s1 =	sadd.s32 s1, s30  }
0xbc: {  	s0 =	sor.u32 s3, s0;
	s1 =	sshll.u32 s1, $0x11  }
0xbd: {  	s0 =	sor.u32 s1, s0  }
0xbe: {  	s0 =	sadd.s32 $0x8F2B, s0  }
0xbf: {  	[sflag:s0] =	ssyncadd.remote.s32 $0x1  }
0xc0: {  	_ =	sfence.sel $0xFFFF  }
0xc1: {  	[dreg:$0x0] =	wrdreg $0xFFFFFFFF;
	(pc) =	sbr.abs _section_cstart, $3  }
0xc2: {  	[dreg:$0x1] =	wrdreg $0xFFFFFFFF  }
0xc3: {  	_ =	task.clear_ibuf [dreg:s8], $0x2FFFF;
	_ =	strace $0x9FFFFFFF  }
0xc4: {  	(tm) =	ssettm $0x7FFFFFFF  }
0xc5: {  	_ =	shalt  }
tec
execute0_lowered:
.L_overlay_start_1:
0x0: {  	(tag) =	ssettag $0x1  }
0x1: {  	s0 =	rddreg [dreg:$0x0]  }
0x2: {  	s3 =	srdreg.scid;
	s4 =	stileid.u32  }
0x3: {  	s1 =	rddreg [dreg:$0x1];
	s6 =	sand.u32 $0x1, s3;
	s13 =	sshll.u32 s4, $0x1  }
0x4: {  	s5 =	rddreg [dreg:$0x2];
	s7 =	sor.u32 s6, s13  }
0x5: {  	s2 =	simm.s32 $0x0;
	s9 =	smul.u32 $0x180, s7;
	s7 =	sshll.u32 s7, $0x6  }
0x6: {  	[smem:$0x7FF] =	sst s2;
	s8 =	sadd.s32 $0x2200, s5;
	s15 =	sadd.s32 s0, s7  }
0x7: {  	_ =	strace $0x80000047;
	s16 =	sadd.s32 s1, s7;
	[dreg:$0x4] =	wrdreg s15  }
0x8: {  	s10 =	sadd.s32 s8, s7;
	[dreg:$0x6] =	wrdreg s16  }
0x9: {  	s17 =	sadd.s32 $0x800, s10;
	[dreg:$0x5] =	wrdreg s10  }
0xa: {  	s18 =	sadd.s32 $0x1000, s10;
	[dreg:$0x7] =	wrdreg s17  }
0xb: {  	s19 =	sadd.s32 $0x1800, s10;
	[dreg:$0x8] =	wrdreg s18  }
0xc: {  	s21 =	sor.u32 $0x10, s7;
	s20 =	sadd.s32 $0x2000, s10;
	[dreg:$0x9] =	wrdreg s19  }
0xd: {  	s3 =	sadd.s32 $0x24C200, s5;
	s11 =	sadd.s32 s0, s21;
	[dreg:$0xa] =	wrdreg s20  }
0xe: {  	s4 =	sadd.s32 $0x188C00, s5;
	s22 =	sadd.s32 s1, s21;
	[dreg:$0xb] =	wrdreg s11  }
0xf: {  	s5 =	sadd.s32 s9, s5;
	s9 =	sadd.s32 s8, s21;
	[dreg:$0xc] =	wrdreg s22  }
0x10: {  	s23 =	sadd.s32 $0x810, s10;
	[dreg:$0xd] =	wrdreg s9  }
0x11: {  	s25 =	sor.u32 $0x20, s7;
	s24 =	sadd.s32 $0x1010, s10;
	[dreg:$0xe] =	wrdreg s23  }
0x12: {  	s26 =	sadd.s32 s0, s25;
	[dreg:$0xf] =	wrdreg s24  }
0x13: {  	s7 =	sor.u32 $0x30, s7;
	s12 =	sadd.s32 s1, s25;
	[dreg:$0x10] =	wrdreg s26  }
0x14: {  	s6 =	ssub.s32 $0x2, s6;
	s0 =	sadd.s32 s0, s7;
	[dreg:$0x11] =	wrdreg s12  }
0x15: {  	s14 =	sshrl.u32 s6, $0x1;
	s13 =	sadd.s32 s1, s7;
	[dreg:$0x13] =	wrdreg s0  }
0x16: {  	s6 =	ssub.s32 s6, s14;
	s14 =	sadd.s32 s8, s7;
	[dreg:$0x14] =	wrdreg s13  }
0x17: {  	s15 =	sadd.s32 $0x1810, s10;
	[dreg:$0x15] =	wrdreg s14  }
0x18: {  	s28 =	simm.s32 $0x600;
	s21 =	sadd.s32 $0x1820, s10;
	[dreg:$0x16] =	wrdreg s15  }
0x19: {  	s29 =	simm.s32 $0x680;
	s9 =	sadd.s32 s8, s25;
	[dreg:$0x1c] =	wrdreg s21  }
0x1a: {  	s30 =	simm.s32 $0x2;
	s16 =	sadd.s32 $0x4A00, s5;
	[dreg:$0x12] =	wrdreg s9  }
0x1b: {  	s31 =	simm.s32 $0xE700;
	s17 =	smax.u32 s6, $0x1;
	[dreg:$0x17] =	wrdreg s16  }
0x1c: {  	s1 =	simm.s32 $0x12700;
	s18 =	sadd.s32 $0x2010, s10;
	[dreg:$0x18] =	wrdreg s17  }
0x1d: {  	s7 =	simm.s32 $0x16700;
	s19 =	sadd.s32 $0x820, s10;
	[dreg:$0x19] =	wrdreg s18  }
0x1e: {  	s20 =	sadd.s32 $0x1020, s10;
	s22 =	sadd.s32 $0x2020, s10;
	[dreg:$0x1a] =	wrdreg s19  }
0x1f: {  	s23 =	sadd.s32 $0x830, s10;
	s24 =	sadd.s32 $0x1030, s10;
	[dreg:$0x1b] =	wrdreg s20  }
0x20: {  	s25 =	sadd.s32 $0x1830, s10;
	s26 =	sadd.s32 $0x2030, s10;
	[dreg:$0x1d] =	wrdreg s22  }
0x21: {  	s8 =	simm.s32 $0x80;
	s14 =	simm.s32 $0x1;
	[dreg:$0x1e] =	wrdreg s23  }
0x22: {  	s15 =	simm.s32 $0x700;
	s21 =	simm.s32 $0xC700;
	[dreg:$0x1f] =	wrdreg s24  }
0x23: {  	s0 =	simm.s32 $0x10700;
	s5 =	simm.s32 $0x14700;
	[smem:$0x7FC] =	sst s25  }
0x24: {  	s6 =	simm.s32 $0x18700;
	s10 =	simm.s32 $0x0;
	[smem:$0x7FD] =	sst s26  }
0x25: {  	s23 =	simm.s32 $0x100;
	s16 =	simm.s32 $0x2700;
	s17 =	simm.s32 $0x4700  }
0x26: {  	v0 =	vlaneseq.u32;
	s18 =	simm.s32 $0x6700;
	s19 =	simm.s32 $0x8700;
	s20 =	simm.s32 $0xA700  }
0x27: {  	v0 =	vmul.u32 $0x40, v0;
	s25 =	simm.s32 $0x380;
	s26 =	simm.s32 $0x580;
	s9 =	simm.s32 $0x1A700  }
.LBB2_1:
0x28: {  	s11 =	rddreg [dreg:$0x4]  }
0x29: {  	[tilespmem:s2], [sflag:$0x1] =	stream.linear.gather [hbm4b:s11+s2], $0x80, $0x38;
	[tilespmem:$0x1D300] =	vst v63  }
0x2a: {  	s24 =	rddreg [dreg:$0x6]  }
0x2b: {  	[tilespmem:s8], [sflag:$0x1] =	stream.linear.gather [hbm4b:s24+s2], $0x80, $0x38;
	[tilespmem:$0x1D300] =	vst v63  }
0x2c: {  	s12 =	rddreg [dreg:$0x5]  }
0x2d: {  	[tilespmem:s23], [sflag:$0x1] =	stream.linear.gather [hbm4b:s12+s2], $0x80, $0x38;
	[tilespmem:$0x1D300] =	vst v63  }
0x2e: {  	s13 =	rddreg [dreg:$0x7];
	s12 =	simm.s32 $0x180  }
0x2f: {  	[tilespmem:s12], [sflag:$0x1] =	stream.linear.gather [hbm4b:s13+s2], $0x80, $0x38;
	[tilespmem:$0x1D300] =	vst v63  }
0x30: {  	s22 =	rddreg [dreg:$0x8];
	s13 =	simm.s32 $0x200  }
0x31: {  	[tilespmem:s13], [sflag:$0x1] =	stream.linear.gather [hbm4b:s22+s2], $0x80, $0x38;
	[tilespmem:$0x1D300] =	vst v63  }
0x32: {  	s24 =	rddreg [dreg:$0x9];
	s22 =	simm.s32 $0x280  }
0x33: {  	[tilespmem:s22], [sflag:$0x1] =	stream.linear.gather [hbm4b:s24+s2], $0x80, $0x38;
	[tilespmem:$0x1D300] =	vst v63  }
0x34: {  	s11 =	rddreg [dreg:$0xa];
	s24 =	simm.s32 $0x300  }
0x35: {  	[tilespmem:s24], [sflag:$0x1] =	stream.linear.gather [hbm4b:s11+s2], $0x80, $0x38;
	[tilespmem:$0x1D300] =	vst v63  }
0x36: {  	_ =	swait.ge [sflag:s14], $0x80  }
0x37: {  	[sflag:s14] =	ssyncset.done $0x0  }
0x38: {  	[sflag:s14] =	ssyncadd.s32 $0xFFFFFF80  }
0x39: {  	_ =	swait.ge [sflag:s14], $0x80  }
0x3a: {  	[sflag:s14] =	ssyncset.done $0x0  }
0x3b: {  	[sflag:s14] =	ssyncadd.s32 $0xFFFFFF80  }
0x3c: {  	_ =	swait.ge [sflag:s14], $0x80  }
0x3d: {  	[sflag:s14] =	ssyncset.done $0x0  }
0x3e: {  	[sflag:s14] =	ssyncadd.s32 $0xFFFFFF80  }
0x3f: {  	_ =	swait.ge [sflag:s14], $0x80  }
0x40: {  	[sflag:s14] =	ssyncset.done $0x0  }
0x41: {  	[sflag:s14] =	ssyncadd.s32 $0xFFFFFF80  }
0x42: {  	_ =	swait.ge [sflag:s14], $0x80  }
0x43: {  	[sflag:s14] =	ssyncset.done $0x0  }
0x44: {  	[sflag:s14] =	ssyncadd.s32 $0xFFFFFF80  }
0x45: {  	_ =	swait.ge [sflag:s14], $0x80  }
0x46: {  	[sflag:s14] =	ssyncset.done $0x0  }
0x47: {  	[sflag:s14] =	ssyncadd.s32 $0xFFFFFF80  }
0x48: {  	_ =	swait.ge [sflag:s14], $0x80  }
0x49: {  	[sflag:s14] =	ssyncset.done $0x0  }
0x4a: {  	[sflag:s14] =	ssyncadd.s32 $0xFFFFFF80  }
0x4b: {  	[tilespmem:s15], [sflag:$0x1] =	stream.indirect.gather [hbm4b:s3+s8], $0x40, s2, s8, $0xb8;
	[tilespmem:$0x1D300] =	vst v63  }
0x4c: {  	_ = 	snop  }
0x4d: {  	[tilespmem:s16], [sflag:$0x1] =	stream.indirect.gather [hbm4b:s4+s8], $0x40, s8, s8, $0xb8;
	[tilespmem:$0x1D300] =	vst v63  }
0x4e: {  	_ = 	snop  }
0x4f: {  	[tilespmem:s17], [sflag:$0x1] =	stream.indirect.gather [hbm4b:s4+s8], $0x40, s23, s8, $0xb8;
	[tilespmem:$0x1D300] =	vst v63  }
0x50: {  	_ = 	snop  }
0x51: {  	[tilespmem:s18], [sflag:$0x1] =	stream.indirect.gather [hbm4b:s4+s8], $0x40, s12, s8, $0xb8;
	[tilespmem:$0x1D300] =	vst v63  }
0x52: {  	_ = 	snop  }
0x53: {  	[tilespmem:s19], [sflag:$0x1] =	stream.indirect.gather [hbm4b:s4+s8], $0x40, s13, s8, $0xb8;
	[tilespmem:$0x1D300] =	vst v63  }
0x54: {  	_ = 	snop  }
0x55: {  	[tilespmem:s20], [sflag:$0x1] =	stream.indirect.gather [hbm4b:s4+s8], $0x40, s22, s8, $0xb8;
	[tilespmem:$0x1D300] =	vst v63  }
0x56: {  	_ = 	snop  }
0x57: {  	[tilespmem:s21], [sflag:$0x1] =	stream.indirect.gather [hbm4b:s4+s8], $0x40, s24, s8, $0xb8;
	[tilespmem:$0x1D300] =	vst v63  }
0x58: {  	s12 =	rddreg [dreg:$0xb]  }
0x59: {  	[tilespmem:s25], [sflag:$0x2] =	stream.linear.gather [hbm4b:s12+s2], $0x80, $0x38;
	[tilespmem:$0x1D300] =	vst v63  }
0x5a: {  	s13 =	rddreg [dreg:$0xc];
	s12 =	simm.s32 $0x400  }
0x5b: {  	[tilespmem:s12], [sflag:$0x2] =	stream.linear.gather [hbm4b:s13+s2], $0x80, $0x38;
	[tilespmem:$0x1D300] =	vst v63  }
0x5c: {  	s22 =	rddreg [dreg:$0xd];
	s13 =	simm.s32 $0x480  }
0x5d: {  	[tilespmem:s13], [sflag:$0x2] =	stream.linear.gather [hbm4b:s22+s2], $0x80, $0x38;
	[tilespmem:$0x1D300] =	vst v63  }
0x5e: {  	s24 =	rddreg [dreg:$0xe];
	s22 =	simm.s32 $0x500  }
0x5f: {  	[tilespmem:s22], [sflag:$0x2] =	stream.linear.gather [hbm4b:s24+s2], $0x80, $0x38;
	[tilespmem:$0x1D300] =	vst v63  }
0x60: {  	s24 =	rddreg [dreg:$0xf]  }
0x61: {  	[tilespmem:s26], [sflag:$0x2] =	stream.linear.gather [hbm4b:s24+s2], $0x80, $0x38;
	[tilespmem:$0x1D300] =	vst v63  }
0x62: {  	s24 =	rddreg [dreg:$0x16]  }
0x63: {  	[tilespmem:s28], [sflag:$0x2] =	stream.linear.gather [hbm4b:s24+s2], $0x80, $0x38;
	[tilespmem:$0x1D300] =	vst v63  }
0x64: {  	s24 =	rddreg [dreg:$0x19]  }
0x65: {  	[tilespmem:s29], [sflag:$0x2] =	stream.linear.gather [hbm4b:s24+s2], $0x80, $0x38;
	[tilespmem:$0x1D300] =	vst v63  }
0x66: {  	_ =	swait.ge [sflag:s30], $0x80  }
0x67: {  	[sflag:s30] =	ssyncset.done $0x0  }
0x68: {  	[sflag:s30] =	ssyncadd.s32 $0xFFFFFF80  }
0x69: {  	_ =	swait.ge [sflag:s30], $0x80  }
0x6a: {  	[sflag:s30] =	ssyncset.done $0x0  }
0x6b: {  	[sflag:s30] =	ssyncadd.s32 $0xFFFFFF80  }
0x6c: {  	_ =	swait.ge [sflag:s30], $0x80  }
0x6d: {  	[sflag:s30] =	ssyncset.done $0x0  }
0x6e: {  	[sflag:s30] =	ssyncadd.s32 $0xFFFFFF80  }
0x6f: {  	_ =	swait.ge [sflag:s30], $0x80  }
0x70: {  	[sflag:s30] =	ssyncset.done $0x0  }
0x71: {  	[sflag:s30] =	ssyncadd.s32 $0xFFFFFF80  }
0x72: {  	_ =	swait.ge [sflag:s30], $0x80  }
0x73: {  	[sflag:s30] =	ssyncset.done $0x0  }
0x74: {  	[sflag:s30] =	ssyncadd.s32 $0xFFFFFF80  }
0x75: {  	_ =	swait.ge [sflag:s30], $0x80  }
0x76: {  	[sflag:s30] =	ssyncset.done $0x0  }
0x77: {  	[sflag:s30] =	ssyncadd.s32 $0xFFFFFF80  }
0x78: {  	_ =	swait.ge [sflag:s30], $0x80  }
0x79: {  	[sflag:s30] =	ssyncset.done $0x0  }
0x7a: {  	[sflag:s30] =	ssyncadd.s32 $0xFFFFFF80  }
0x7b: {  	[tilespmem:s31], [sflag:$0x2] =	stream.indirect.gather [hbm4b:s3+s8], $0x40, s25, s8, $0xb8;
	[tilespmem:$0x1D300] =	vst v63  }
0x7c: {  	_ = 	snop  }
0x7d: {  	[tilespmem:s0], [sflag:$0x2] =	stream.indirect.gather [hbm4b:s4+s8], $0x40, s12, s8, $0xb8;
	[tilespmem:$0x1D300] =	vst v63  }
0x7e: {  	_ = 	snop  }
0x7f: {  	[tilespmem:s1], [sflag:$0x2] =	stream.indirect.gather [hbm4b:s4+s8], $0x40, s13, s8, $0xb8;
	[tilespmem:$0x1D300] =	vst v63  }
0x80: {  	_ = 	snop  }
0x81: {  	[tilespmem:s5], [sflag:$0x2] =	stream.indirect.gather [hbm4b:s4+s8], $0x40, s22, s8, $0xb8;
	[tilespmem:$0x1D300] =	vst v63  }
0x82: {  	_ = 	snop  }
0x83: {  	[tilespmem:s7], [sflag:$0x2] =	stream.indirect.gather [hbm4b:s4+s8], $0x40, s26, s8, $0xb8;
	[tilespmem:$0x1D300] =	vst v63  }
0x84: {  	_ = 	snop  }
0x85: {  	[tilespmem:s6], [sflag:$0x2] =	stream.indirect.gather [hbm4b:s4+s8], $0x40, s28, s8, $0xb8;
	[tilespmem:$0x1D300] =	vst v63  }
0x86: {  	_ = 	snop  }
0x87: {  	[tilespmem:s9], [sflag:$0x2] =	stream.indirect.gather [hbm4b:s4+s8], $0x40, s29, s8, $0xb8;
	[tilespmem:$0x1D300] =	vst v63  }
0x88: {  	_ =	swait.ge [sflag:s14], $0x2000  }
0x89: {  	[sflag:s14] =	ssyncset.done $0x0  }
0x8a: {  	[sflag:s14] =	ssyncadd.s32 $0xFFFFE000  }
0x8b: {  	_ =	swait.ge [sflag:s14], $0x2000  }
0x8c: {  	[sflag:s14] =	ssyncset.done $0x0  }
0x8d: {  	[sflag:s14] =	ssyncadd.s32 $0xFFFFE000  }
0x8e: {  	_ =	swait.ge [sflag:s14], $0x2000  }
0x8f: {  	[sflag:s14] =	ssyncset.done $0x0  }
0x90: {  	[sflag:s14] =	ssyncadd.s32 $0xFFFFE000  }
0x91: {  	_ =	swait.ge [sflag:s14], $0x2000  }
0x92: {  	[sflag:s14] =	ssyncset.done $0x0  }
0x93: {  	[sflag:s14] =	ssyncadd.s32 $0xFFFFE000  }
0x94: {  	_ =	swait.ge [sflag:s14], $0x2000  }
0x95: {  	[sflag:s14] =	ssyncset.done $0x0  }
0x96: {  	[sflag:s14] =	ssyncadd.s32 $0xFFFFE000  }
0x97: {  	_ =	swait.ge [sflag:s14], $0x2000  }
0x98: {  	[sflag:s14] =	ssyncset.done $0x0  }
0x99: {  	[sflag:s14] =	ssyncadd.s32 $0xFFFFE000  }
0x9a: {  	_ =	swait.ge [sflag:s14], $0x2000  }
0x9b: {  	[sflag:s14] =	ssyncset.done $0x0  }
0x9c: {  	s11 =	simm.s32 $0x0;
	[sflag:s14] =	ssyncadd.s32 $0xFFFFE000  }
.LBB2_2:
0x9d: {  	s13 =	simm.s32 $0x0  }
0x9e: {  	s12 =	sshll.u32 s11, $0x4;
	s22 =	simm.s32 $0x1;
	v1 =	vmov s13  }
0x9f: {  	v2 =	vmov s12;
	v3 =	vmov s22;
	v1 =	vand.u32 $0x3E, v1  }
0xa0: {  	v2 =	vshll.u32 v2, $0x6;
	v3 =	vand.u32 $0x3F, v3;
	v1 =	vbroadcast v1, $0x0  }
0xa1: {  	v2 =	vor.u32 v0, v2;
	v3 =	vbroadcast v3, $0x0  }
0xa2: {  	v5 =	vor.u32 v2, v1  }
0xa3: {  	v6 =	vor.u32 v2, v3;
	_ =	sdelay $0x3  }
0xa4: {  	v8 =	vld.idx.msk [tilespmem:v5+s18+$0x0], $0xffff  }
0xa5: {  	v9 =	vld.idx.msk [tilespmem:v6+s17+$0x0], $0xffff  }
0xa6: {  	v10 =	vld.idx.msk [tilespmem:v6+s16+$0x0], $0xffff  }
0xa7: {  	v7 =	vld.idx.msk [tilespmem:v6+s15+$0x0], $0xffff  }
0xa8: {  	s24 =	simm.s32 $0x2;
	v11 =	vld.idx.msk [tilespmem:v5+s20+$0x0], $0xffff  }
0xa9: {  	s25 =	simm.s32 $0x3;
	v1 =	vmov s24;
	v12 =	vld.idx.msk [tilespmem:v6+s21+$0x0], $0xffff  }
0xaa: {  	v3 =	vmov s25;
	v1 =	vand.u32 $0x3E, v1;
	v15 =	vld.idx.msk [tilespmem:v5+s19+$0x0], $0xffff  }
0xab: {  	v3 =	vand.u32 $0x3F, v3;
	v1 =	vbroadcast v1, $0x0;
	v16 =	vld.idx.msk [tilespmem:v5+s15+$0x0], $0xffff  }
0xac: {  	v3 =	vbroadcast v3, $0x0;
	v13 =	vld.idx.msk [tilespmem:v5+s17+$0x0], $0xffff  }
0xad: {  	v4 =	vor.u32 v2, v1;
	v17 =	vld.idx.msk [tilespmem:v6+s20+$0x0], $0xffff  }
0xae: {  	v1 =	vor.u32 v2, v3;
	v19 =	vld.idx.msk [tilespmem:v5+s16+$0x0], $0xffff  }
0xaf: {  	v24 =	vld.idx.msk [tilespmem:v6+s19+$0x0], $0xffff  }
0xb0: {  	v14 =	vld.idx.msk [tilespmem:v5+s21+$0x0], $0xffff;
	v3 =	vmul.f32 v12, v7;
	v20 =	vmul.f32 v8, v16  }
0xb1: {  	v18 =	vld.idx.msk [tilespmem:v6+s18+$0x0], $0xffff;
	v8 =	vmul.f32 v10, v7;
	v22 =	vmul.f32 v13, v16  }
0xb2: {  	v6 =	vld.idx.msk [tilespmem:v4+s18+$0x0], $0xffff;
	v10 =	vmul.f32 v9, v7;
	v9 =	vmul.f32 v15, v16  }
0xb3: {  	v5 =	vld.idx.msk [tilespmem:v1+s17+$0x0], $0xffff;
	v17 =	vmul.f32 v17, v7;
	v21 =	vmul.f32 v19, v16  }
0xb4: {  	v13 =	vimm.f32 $0.0e+00;
	v12 =	vld.idx.msk [tilespmem:v4+s21+$0x0], $0xffff;
	v25 =	vmul.f32 v11, v16;
	v24 =	vmul.f32 v24, v7  }
0xb5: {  	v11 =	vld.idx.msk [tilespmem:v1+s16+$0x0], $0xffff;
	v19 =	vimm.f32 $0.0e+00;
	v15 =	vadd.f32 v22, v13;
	v23 =	vadd.f32 v9, v13  }
0xb6: {  	s13 =	simm.s32 $0x4;
	v22 =	vmul.f32 v14, v16;
	v9 =	vld.idx.msk [tilespmem:v1+s15+$0x0], $0xffff;
	v16 =	vimm.f32 $0.0e+00;
	v14 =	vimm.f32 $0.0e+00  }
.LBB2_3:
0xb7: {  	v26 =	vmov s13;
	s22 =	sadd.s32 $0x1, s13;
	p0 =	slt.u32 s13, $0x3E;
	s13 =	sadd.s32 $0x2, s13;
	v27 =	vld.idx.msk [tilespmem:v4+s20+$0x0], $0xffff;
	v13 =	vadd.f32 v20, v13;
	v19 =	vadd.f32 v25, v19  }
0xb8: {  	v7 =	vmul.f32 v18, v7;
	v20 =	vand.u32 $0x3E, v26;
	v25 =	vmov s22;
	v26 =	vld.idx.msk [tilespmem:v1+s21+$0x0], $0xffff  }
0xb9: {  	v23 =	vadd.f32 v24, v23;
	v18 =	vbroadcast v20, $0x0;
	v20 =	vand.u32 $0x3F, v25;
	v25 =	vld.idx.msk [tilespmem:v4+s19+$0x0], $0xffff  }
0xba: {  	v16 =	vadd.f32 v21, v16;
	v13 =	vadd.f32 v7, v13;
	v28 =	vmovc v12;
	v20 =	vbroadcast v20, $0x0;
	v24 =	vld.idx.msk [tilespmem:v4+s15+$0x0], $0xffff  }
0xbb: {  	v19 =	vadd.f32 v17, v19;
	v12 =	vor.u32 v2, v18;
	v21 =	vld.idx.msk [tilespmem:v4+s17+$0x0], $0xffff;
	v18 =	vadd.f32 v22, v14  }
0xbc: {  	v15 =	vadd.f32 v10, v15;
	v16 =	vadd.f32 v8, v16;
	v22 =	vor.u32 v2, v20;
	v17 =	vld.idx.msk [tilespmem:v1+s20+$0x0], $0xffff  }
0xbd: {  	v7 =	vmov v9;
	v29 =	vld.idx.msk [tilespmem:v4+s16+$0x0], $0xffff;
	v14 =	vadd.f32 v3, v18;
	v4 =	vmov v12  }
0xbe: {  	v30 =	vld.idx.msk [tilespmem:v1+s19+$0x0], $0xffff  }
0xbf: {  	v3 =	vmul.f32 v26, v7;
	v18 =	vld.idx.msk [tilespmem:v1+s18+$0x0], $0xffff;
	v1 =	vmov v22  }
.Ltmp0:
0xc0: {  	v8 =	vmul.f32 v11, v7;
	v20 =	vmul.f32 v6, v24;
	v6 =	vld.idx.msk [tilespmem:v12+s18+$0x0], $0xffff;
	(pc) =	sbr.rel @p0 .LBB2_3-.Ltmp0, $4  }
0xc1: {  	v10 =	vmul.f32 v5, v7;
	v9 =	vmul.f32 v21, v24;
	v5 =	vld.idx.msk [tilespmem:v22+s17+$0x0], $0xffff  }
0xc2: {  	v26 =	vmul.f32 v25, v24;
	v17 =	vmul.f32 v17, v7;
	v12 =	vld.idx.msk [tilespmem:v12+s21+$0x0], $0xffff  }
0xc3: {  	v25 =	vmul.f32 v27, v24;
	v21 =	vmul.f32 v29, v24;
	v15 =	vadd.f32 v9, v15;
	v11 =	vld.idx.msk [tilespmem:v22+s16+$0x0], $0xffff  }
0xc4: {  	v23 =	vadd.f32 v26, v23;
	v9 =	vld.idx.msk [tilespmem:v22+s15+$0x0], $0xffff;
	v22 =	vmul.f32 v28, v24;
	v24 =	vmul.f32 v30, v7  }
0xc5: {  	_ =	sdelay $0x3  }
0xc6: {  	v2 =	vld.idx.msk [tilespmem:v4+s20+$0x0], $0xffff  }
0xc7: {  	v26 =	vld.idx.msk [tilespmem:v4+s15+$0x0], $0xffff  }
0xc8: {  	v27 =	vld.idx.msk [tilespmem:v4+s17+$0x0], $0xffff  }
0xc9: {  	v13 =	vadd.f32 v20, v13;
	v19 =	vadd.f32 v25, v19;
	v50 =	vld.idx.msk [tilespmem:v4+s19+$0x0], $0xffff  }
0xca: {  	v7 =	vmul.f32 v18, v7;
	v16 =	vadd.f32 v21, v16;
	v52 =	vld.idx.msk [tilespmem:v4+s16+$0x0], $0xffff;
	v10 =	vadd.f32 v10, v15  }
0xcb: {  	v51 =	vadd.f32 v24, v23;
	v53 =	vadd.f32 v22, v14  }
0xcc: {  	v55 =	vld.idx.msk [tilespmem:v1+s18+$0x0], $0xffff;
	v7 =	vadd.f32 v7, v13;
	v17 =	vadd.f32 v17, v19;
	v11 =	vmul.f32 v11, v9  }
0xcd: {  	v54 =	vld.idx.msk [tilespmem:v1+s19+$0x0], $0xffff;
	v8 =	vadd.f32 v8, v16;
	v5 =	vmul.f32 v5, v9;
	v56 =	vmul.f32 v27, v26  }
0xce: {  	v57 =	vld.idx.msk [tilespmem:v1+s20+$0x0], $0xffff;
	v3 =	vadd.f32 v3, v53;
	v6 =	vmul.f32 v6, v26;
	v58 =	vmul.f32 v50, v26  }
0xcf: {  	v1 =	vld.idx.msk [tilespmem:v1+s21+$0x0], $0xffff;
	v4 =	vmul.f32 v52, v26;
	v2 =	vmul.f32 v2, v26;
	v10 =	vadd.f32 v56, v10  }
0xd0: {  	v60 =	vmul.f32 v12, v26;
	v13 =	vadd.f32 v58, v51;
	v6 =	vadd.f32 v6, v7  }
0xd1: {  	v59 =	vmul.f32 v55, v9;
	v2 =	vadd.f32 v2, v17;
	v4 =	vadd.f32 v4, v8  }
0xd2: {  	v14 =	vmul.f32 v54, v9;
	v3 =	vadd.f32 v60, v3;
	v5 =	vadd.f32 v5, v10  }
0xd3: {  	v62 =	vmul.f32 v57, v9;
	v6 =	vadd.f32 v59, v6;
	v4 =	vadd.f32 v11, v4  }
0xd4: {  	s11 =	sadd.s32 $0x1, s11;
	v1 =	vmul.f32 v1, v9;
	v61 =	vadd.f32 v14, v13;
	v5 =	vsub.f32 $0.0e+00, v5  }
0xd5: {  	p0 =	sne.s32 s11, $0x8;
	v2 =	vadd.f32 v62, v2;
	[tilespmem:s12+$0x1C700] =	vst v4;
	v63 =	vsub.f32 $0.0e+00, v6  }
.Ltmp1:
0xd6: {  	v1 =	vadd.f32 v1, v3;
	v3 =	vsub.f32 $0.0e+00, v61;
	[tilespmem:s12+$0x1C900] =	vst v5;
	(pc) =	sbr.rel @p0 .LBB2_2-.Ltmp1, $4  }
0xd7: {  	v2 =	vsub.f32 $0.0e+00, v2;
	[tilespmem:s12+$0x1CB00] =	vst v63  }
0xd8: {  	v1 =	vsub.f32 $0.0e+00, v1;
	[tilespmem:s12+$0x1CD00] =	vst v3  }
0xd9: {  	[tilespmem:s12+$0x1CF00] =	vst v2  }
0xda: {  	[tilespmem:s12+$0x1D100] =	vst v1  }
0xdb: {  	s11 =	simm.s32 $0x0;
	s12 =	rddreg [dreg:$0x10]  }
0xdc: {  	[tilespmem:s11], [sflag:$0x1] =	stream.linear.gather [hbm4b:s12+s11], $0x80, $0x38;
	[tilespmem:$0x1D300] =	vst v63  }
0xdd: {  	s25 =	rddreg [dreg:$0x11]  }
0xde: {  	[tilespmem:s8], [sflag:$0x1] =	stream.linear.gather [hbm4b:s25+s11], $0x80, $0x38;
	[tilespmem:$0x1D300] =	vst v63  }
0xdf: {  	s13 =	rddreg [dreg:$0x12]  }
0xe0: {  	[tilespmem:s23], [sflag:$0x1] =	stream.linear.gather [hbm4b:s13+s11], $0x80, $0x38;
	[tilespmem:$0x1D300] =	vst v63  }
0xe1: {  	s22 =	rddreg [dreg:$0x1a];
	s13 =	simm.s32 $0x180  }
0xe2: {  	[tilespmem:s13], [sflag:$0x1] =	stream.linear.gather [hbm4b:s22+s11], $0x80, $0x38;
	[tilespmem:$0x1D300] =	vst v63  }
0xe3: {  	s24 =	rddreg [dreg:$0x1b];
	s22 =	simm.s32 $0x200  }
0xe4: {  	[tilespmem:s22], [sflag:$0x1] =	stream.linear.gather [hbm4b:s24+s11], $0x80, $0x38;
	[tilespmem:$0x1D300] =	vst v63  }
0xe5: {  	s25 =	rddreg [dreg:$0x1c];
	s24 =	simm.s32 $0x280  }
0xe6: {  	[tilespmem:s24], [sflag:$0x1] =	stream.linear.gather [hbm4b:s25+s11], $0x80, $0x38;
	[tilespmem:$0x1D300] =	vst v63  }
0xe7: {  	s12 =	rddreg [dreg:$0x1d];
	s25 =	simm.s32 $0x300  }
0xe8: {  	[tilespmem:s25], [sflag:$0x1] =	stream.linear.gather [hbm4b:s12+s11], $0x80, $0x38;
	[tilespmem:$0x1D300] =	vst v63  }
0xe9: {  	_ =	swait.ge [sflag:s14], $0x80  }
0xea: {  	[sflag:s14] =	ssyncset.done $0x0  }
0xeb: {  	[sflag:s14] =	ssyncadd.s32 $0xFFFFFF80  }
0xec: {  	_ =	swait.ge [sflag:s14], $0x80  }
0xed: {  	[sflag:s14] =	ssyncset.done $0x0  }
0xee: {  	[sflag:s14] =	ssyncadd.s32 $0xFFFFFF80  }
0xef: {  	_ =	swait.ge [sflag:s14], $0x80  }
0xf0: {  	[sflag:s14] =	ssyncset.done $0x0  }
0xf1: {  	[sflag:s14] =	ssyncadd.s32 $0xFFFFFF80  }
0xf2: {  	_ =	swait.ge [sflag:s14], $0x80  }
0xf3: {  	[sflag:s14] =	ssyncset.done $0x0  }
0xf4: {  	[sflag:s14] =	ssyncadd.s32 $0xFFFFFF80  }
0xf5: {  	_ =	swait.ge [sflag:s14], $0x80  }
0xf6: {  	[sflag:s14] =	ssyncset.done $0x0  }
0xf7: {  	[sflag:s14] =	ssyncadd.s32 $0xFFFFFF80  }
0xf8: {  	_ =	swait.ge [sflag:s14], $0x80  }
0xf9: {  	[sflag:s14] =	ssyncset.done $0x0  }
0xfa: {  	[sflag:s14] =	ssyncadd.s32 $0xFFFFFF80  }
0xfb: {  	_ =	swait.ge [sflag:s14], $0x80  }
0xfc: {  	[sflag:s14] =	ssyncset.done $0x0  }
0xfd: {  	[sflag:s14] =	ssyncadd.s32 $0xFFFFFF80  }
0xfe: {  	[tilespmem:s15], [sflag:$0x1] =	stream.indirect.gather [hbm4b:s3+s8], $0x40, s11, s8, $0xb8;
	[tilespmem:$0x1D300] =	vst v63  }
0xff: {  	_ = 	snop  }
0x100: {  	[tilespmem:s16], [sflag:$0x1] =	stream.indirect.gather [hbm4b:s4+s8], $0x40, s8, s8, $0xb8;
	[tilespmem:$0x1D300] =	vst v63  }
0x101: {  	_ = 	snop  }
0x102: {  	[tilespmem:s17], [sflag:$0x1] =	stream.indirect.gather [hbm4b:s4+s8], $0x40, s23, s8, $0xb8;
	[tilespmem:$0x1D300] =	vst v63  }
0x103: {  	_ = 	snop  }
0x104: {  	[tilespmem:s18], [sflag:$0x1] =	stream.indirect.gather [hbm4b:s4+s8], $0x40, s13, s8, $0xb8;
	[tilespmem:$0x1D300] =	vst v63  }
0x105: {  	_ = 	snop  }
0x106: {  	[tilespmem:s19], [sflag:$0x1] =	stream.indirect.gather [hbm4b:s4+s8], $0x40, s22, s8, $0xb8;
	[tilespmem:$0x1D300] =	vst v63  }
0x107: {  	_ = 	snop  }
0x108: {  	[tilespmem:s20], [sflag:$0x1] =	stream.indirect.gather [hbm4b:s4+s8], $0x40, s24, s8, $0xb8;
	[tilespmem:$0x1D300] =	vst v63  }
0x109: {  	_ = 	snop  }
0x10a: {  	[tilespmem:s21], [sflag:$0x1] =	stream.indirect.gather [hbm4b:s4+s8], $0x40, s25, s8, $0xb8;
	[tilespmem:$0x1D300] =	vst v63  }
0x10b: {  	_ =	swait.ge [sflag:s30], $0x2000  }
0x10c: {  	[sflag:s30] =	ssyncset.done $0x0  }
0x10d: {  	[sflag:s30] =	ssyncadd.s32 $0xFFFFE000  }
0x10e: {  	_ =	swait.ge [sflag:s30], $0x2000  }
0x10f: {  	[sflag:s30] =	ssyncset.done $0x0  }
0x110: {  	[sflag:s30] =	ssyncadd.s32 $0xFFFFE000  }
0x111: {  	_ =	swait.ge [sflag:s30], $0x2000  }
0x112: {  	[sflag:s30] =	ssyncset.done $0x0  }
0x113: {  	[sflag:s30] =	ssyncadd.s32 $0xFFFFE000  }
0x114: {  	_ =	swait.ge [sflag:s30], $0x2000  }
0x115: {  	[sflag:s30] =	ssyncset.done $0x0  }
0x116: {  	[sflag:s30] =	ssyncadd.s32 $0xFFFFE000  }
0x117: {  	_ =	swait.ge [sflag:s30], $0x2000  }
0x118: {  	[sflag:s30] =	ssyncset.done $0x0  }
0x119: {  	[sflag:s30] =	ssyncadd.s32 $0xFFFFE000  }
0x11a: {  	_ =	swait.ge [sflag:s30], $0x2000  }
0x11b: {  	[sflag:s30] =	ssyncset.done $0x0  }
0x11c: {  	[sflag:s30] =	ssyncadd.s32 $0xFFFFE000  }
0x11d: {  	_ =	swait.ge [sflag:s30], $0x2000  }
0x11e: {  	[sflag:s30] =	ssyncset.done $0x0  }
0x11f: {  	s12 =	simm.s32 $0x0;
	s25 =	simm.s32 $0x380;
	[sflag:s30] =	ssyncadd.s32 $0xFFFFE000  }
.LBB2_6:
0x120: {  	s13 =	sshll.u32 s12, $0x4;
	v1 =	vmov s11  }
0x121: {  	v2 =	vmov s13;
	v1 =	vand.u32 $0x3E, v1  }
0x122: {  	v2 =	vshll.u32 v2, $0x6;
	v1 =	vbroadcast v1, $0x0  }
0x123: {  	v2 =	vor.u32 v0, v2  }
0x124: {  	v5 =	vor.u32 v2, v1;
	_ =	sdelay $0x1  }
0x125: {  	s22 =	simm.s32 $0x1  }
0x126: {  	v3 =	vmov s22  }
0x127: {  	v3 =	vand.u32 $0x3F, v3  }
0x128: {  	v3 =	vbroadcast v3, $0x0;
	v8 =	vld.idx.msk [tilespmem:v5+s5+$0x0], $0xffff  }
0x129: {  	v14 =	vld.idx.msk [tilespmem:v5+s9+$0x0], $0xffff  }
0x12a: {  	v6 =	vor.u32 v2, v3;
	v11 =	vld.idx.msk [tilespmem:v5+s6+$0x0], $0xffff  }
0x12b: {  	v15 =	vld.idx.msk [tilespmem:v5+s7+$0x0], $0xffff  }
0x12c: {  	s23 =	simm.s32 $0x2;
	v16 =	vld.idx.msk [tilespmem:v5+s31+$0x0], $0xffff  }
0x12d: {  	s24 =	simm.s32 $0x3;
	v1 =	vmov s23;
	v13 =	vld.idx.msk [tilespmem:v5+s1+$0x0], $0xffff  }
0x12e: {  	v1 =	vand.u32 $0x3E, v1;
	v3 =	vmov s24;
	v19 =	vld.idx.msk [tilespmem:v5+s0+$0x0], $0xffff  }
0x12f: {  	v1 =	vbroadcast v1, $0x0;
	v3 =	vand.u32 $0x3F, v3;
	v9 =	vld.idx.msk [tilespmem:v6+s1+$0x0], $0xffff  }
0x130: {  	v3 =	vbroadcast v3, $0x0;
	v7 =	vld.idx.msk [tilespmem:v6+s31+$0x0], $0xffff  }
0x131: {  	v4 =	vor.u32 v2, v1;
	v12 =	vld.idx.msk [tilespmem:v6+s9+$0x0], $0xffff  }
0x132: {  	v1 =	vor.u32 v2, v3;
	v10 =	vld.idx.msk [tilespmem:v6+s0+$0x0], $0xffff  }
0x133: {  	v17 =	vld.idx.msk [tilespmem:v6+s6+$0x0], $0xffff  }
0x134: {  	v24 =	vld.idx.msk [tilespmem:v6+s7+$0x0], $0xffff;
	v20 =	vmul.f32 v8, v16  }
0x135: {  	v18 =	vld.idx.msk [tilespmem:v6+s5+$0x0], $0xffff;
	v22 =	vmul.f32 v13, v16;
	v21 =	vmul.f32 v19, v16  }
0x136: {  	v6 =	vld.idx.msk [tilespmem:v4+s5+$0x0], $0xffff;
	v25 =	vmul.f32 v11, v16;
	v3 =	vmul.f32 v12, v7  }
0x137: {  	v13 =	vimm.f32 $0.0e+00;
	v5 =	vld.idx.msk [tilespmem:v1+s1+$0x0], $0xffff;
	v8 =	vmul.f32 v10, v7;
	v10 =	vmul.f32 v9, v7  }
0x138: {  	v11 =	vld.idx.msk [tilespmem:v1+s0+$0x0], $0xffff;
	v19 =	vimm.f32 $0.0e+00;
	v9 =	vmul.f32 v15, v16;
	v17 =	vmul.f32 v17, v7  }
0x139: {  	v12 =	vld.idx.msk [tilespmem:v4+s9+$0x0], $0xffff;
	v24 =	vmul.f32 v24, v7;
	v15 =	vadd.f32 v22, v13;
	v22 =	vmul.f32 v14, v16  }
0x13a: {  	s22 =	simm.s32 $0x4;
	v16 =	vimm.f32 $0.0e+00;
	v14 =	vimm.f32 $0.0e+00;
	v23 =	vadd.f32 v9, v13;
	v9 =	vld.idx.msk [tilespmem:v1+s31+$0x0], $0xffff  }
.LBB2_7:
0x13b: {  	v26 =	vmov s22;
	s23 =	sadd.s32 $0x1, s22;
	p0 =	slt.u32 s22, $0x3E;
	s22 =	sadd.s32 $0x2, s22;
	v27 =	vld.idx.msk [tilespmem:v4+s6+$0x0], $0xffff;
	v13 =	vadd.f32 v20, v13;
	v19 =	vadd.f32 v25, v19  }
0x13c: {  	v7 =	vmul.f32 v18, v7;
	v20 =	vand.u32 $0x3E, v26;
	v25 =	vmov s23;
	v26 =	vld.idx.msk [tilespmem:v1+s9+$0x0], $0xffff  }
0x13d: {  	v23 =	vadd.f32 v24, v23;
	v18 =	vbroadcast v20, $0x0;
	v20 =	vand.u32 $0x3F, v25;
	v25 =	vld.idx.msk [tilespmem:v4+s7+$0x0], $0xffff  }
0x13e: {  	v16 =	vadd.f32 v21, v16;
	v13 =	vadd.f32 v7, v13;
	v28 =	vmovc v12;
	v20 =	vbroadcast v20, $0x0;
	v24 =	vld.idx.msk [tilespmem:v4+s31+$0x0], $0xffff  }
0x13f: {  	v19 =	vadd.f32 v17, v19;
	v12 =	vor.u32 v2, v18;
	v21 =	vld.idx.msk [tilespmem:v4+s1+$0x0], $0xffff;
	v18 =	vadd.f32 v22, v14  }
0x140: {  	v15 =	vadd.f32 v10, v15;
	v16 =	vadd.f32 v8, v16;
	v22 =	vor.u32 v2, v20;
	v17 =	vld.idx.msk [tilespmem:v1+s6+$0x0], $0xffff  }
0x141: {  	v7 =	vmov v9;
	v29 =	vld.idx.msk [tilespmem:v4+s0+$0x0], $0xffff;
	v14 =	vadd.f32 v3, v18;
	v4 =	vmov v12  }
0x142: {  	v30 =	vld.idx.msk [tilespmem:v1+s7+$0x0], $0xffff  }
0x143: {  	v3 =	vmul.f32 v26, v7;
	v18 =	vld.idx.msk [tilespmem:v1+s5+$0x0], $0xffff;
	v1 =	vmov v22  }
.Ltmp2:
0x144: {  	v8 =	vmul.f32 v11, v7;
	v20 =	vmul.f32 v6, v24;
	v6 =	vld.idx.msk [tilespmem:v12+s5+$0x0], $0xffff;
	(pc) =	sbr.rel @p0 .LBB2_7-.Ltmp2, $4  }
0x145: {  	v10 =	vmul.f32 v5, v7;
	v9 =	vmul.f32 v21, v24;
	v5 =	vld.idx.msk [tilespmem:v22+s1+$0x0], $0xffff  }
0x146: {  	v26 =	vmul.f32 v25, v24;
	v17 =	vmul.f32 v17, v7;
	v12 =	vld.idx.msk [tilespmem:v12+s9+$0x0], $0xffff  }
0x147: {  	v25 =	vmul.f32 v27, v24;
	v21 =	vmul.f32 v29, v24;
	v15 =	vadd.f32 v9, v15;
	v11 =	vld.idx.msk [tilespmem:v22+s0+$0x0], $0xffff  }
0x148: {  	v23 =	vadd.f32 v26, v23;
	v9 =	vld.idx.msk [tilespmem:v22+s31+$0x0], $0xffff;
	v22 =	vmul.f32 v28, v24;
	v24 =	vmul.f32 v30, v7  }
0x149: {  	_ =	sdelay $0x3  }
0x14a: {  	v2 =	vld.idx.msk [tilespmem:v4+s6+$0x0], $0xffff  }
0x14b: {  	v26 =	vld.idx.msk [tilespmem:v4+s31+$0x0], $0xffff  }
0x14c: {  	v27 =	vld.idx.msk [tilespmem:v4+s1+$0x0], $0xffff  }
0x14d: {  	v13 =	vadd.f32 v20, v13;
	v19 =	vadd.f32 v25, v19;
	v50 =	vld.idx.msk [tilespmem:v4+s7+$0x0], $0xffff  }
0x14e: {  	v7 =	vmul.f32 v18, v7;
	v16 =	vadd.f32 v21, v16;
	v52 =	vld.idx.msk [tilespmem:v4+s0+$0x0], $0xffff;
	v10 =	vadd.f32 v10, v15  }
0x14f: {  	v51 =	vadd.f32 v24, v23;
	v53 =	vadd.f32 v22, v14  }
0x150: {  	v55 =	vld.idx.msk [tilespmem:v1+s5+$0x0], $0xffff;
	v7 =	vadd.f32 v7, v13;
	v17 =	vadd.f32 v17, v19;
	v11 =	vmul.f32 v11, v9  }
0x151: {  	v54 =	vld.idx.msk [tilespmem:v1+s7+$0x0], $0xffff;
	v8 =	vadd.f32 v8, v16;
	v5 =	vmul.f32 v5, v9;
	v56 =	vmul.f32 v27, v26  }
0x152: {  	v57 =	vld.idx.msk [tilespmem:v1+s6+$0x0], $0xffff;
	v3 =	vadd.f32 v3, v53;
	v6 =	vmul.f32 v6, v26;
	v58 =	vmul.f32 v50, v26  }
0x153: {  	v1 =	vld.idx.msk [tilespmem:v1+s9+$0x0], $0xffff;
	v4 =	vmul.f32 v52, v26;
	v2 =	vmul.f32 v2, v26;
	v10 =	vadd.f32 v56, v10  }
0x154: {  	v60 =	vmul.f32 v12, v26;
	v13 =	vadd.f32 v58, v51;
	v6 =	vadd.f32 v6, v7  }
0x155: {  	v59 =	vmul.f32 v55, v9;
	v2 =	vadd.f32 v2, v17;
	v4 =	vadd.f32 v4, v8  }
0x156: {  	v14 =	vmul.f32 v54, v9;
	v3 =	vadd.f32 v60, v3;
	v5 =	vadd.f32 v5, v10  }
0x157: {  	v62 =	vmul.f32 v57, v9;
	v6 =	vadd.f32 v59, v6;
	v4 =	vadd.f32 v11, v4  }
0x158: {  	s12 =	sadd.s32 $0x1, s12;
	v1 =	vmul.f32 v1, v9;
	v61 =	vadd.f32 v14, v13;
	v5 =	vsub.f32 $0.0e+00, v5  }
0x159: {  	p0 =	sne.s32 s12, $0x8;
	v2 =	vadd.f32 v62, v2;
	[tilespmem:s13+$0x1C780] =	vst v4;
	v63 =	vsub.f32 $0.0e+00, v6  }
.Ltmp3:
0x15a: {  	v1 =	vadd.f32 v1, v3;
	v3 =	vsub.f32 $0.0e+00, v61;
	[tilespmem:s13+$0x1C980] =	vst v5;
	(pc) =	sbr.rel @p0 .LBB2_6-.Ltmp3, $4  }
0x15b: {  	v2 =	vsub.f32 $0.0e+00, v2;
	[tilespmem:s13+$0x1CB80] =	vst v63  }
0x15c: {  	v1 =	vsub.f32 $0.0e+00, v1;
	[tilespmem:s13+$0x1CD80] =	vst v3  }
0x15d: {  	[tilespmem:s13+$0x1CF80] =	vst v2  }
0x15e: {  	[tilespmem:s13+$0x1D180] =	vst v1  }
0x15f: {  	s11 =	simm.s32 $0x0;
	s12 =	rddreg [dreg:$0x13]  }
0x160: {  	[tilespmem:s25], [sflag:$0x2] =	stream.linear.gather [hbm4b:s12+s11], $0x80, $0x38;
	[tilespmem:$0x1D300] =	vst v63  }
0x161: {  	s22 =	rddreg [dreg:$0x14];
	s13 =	simm.s32 $0x400  }
0x162: {  	[tilespmem:s13], [sflag:$0x2] =	stream.linear.gather [hbm4b:s22+s11], $0x80, $0x38;
	[tilespmem:$0x1D300] =	vst v63  }
0x163: {  	s23 =	rddreg [dreg:$0x15];
	s22 =	simm.s32 $0x480  }
0x164: {  	[tilespmem:s22], [sflag:$0x2] =	stream.linear.gather [hbm4b:s23+s11], $0x80, $0x38;
	[tilespmem:$0x1D300] =	vst v63  }
0x165: {  	s24 =	rddreg [dreg:$0x1e];
	s23 =	simm.s32 $0x500  }
0x166: {  	[tilespmem:s23], [sflag:$0x2] =	stream.linear.gather [hbm4b:s24+s11], $0x80, $0x38;
	[tilespmem:$0x1D300] =	vst v63  }
0x167: {  	s24 =	rddreg [dreg:$0x1f]  }
0x168: {  	[tilespmem:s26], [sflag:$0x2] =	stream.linear.gather [hbm4b:s24+s11], $0x80, $0x38;
	[tilespmem:$0x1D300] =	vst v63  }
0x169: {  	s24 =	sld [smem:$0x7FC];
	_ =	sdelay $0x2  }
0x16a: {  	[tilespmem:s28], [sflag:$0x2] =	stream.linear.gather [hbm4b:s24+s11], $0x80, $0x38;
	[tilespmem:$0x1D300] =	vst v63  }
0x16b: {  	s24 =	sld [smem:$0x7FD];
	_ =	sdelay $0x2  }
0x16c: {  	[tilespmem:s29], [sflag:$0x2] =	stream.linear.gather [hbm4b:s24+s11], $0x80, $0x38;
	[tilespmem:$0x1D300] =	vst v63  }
0x16d: {  	_ =	swait.ge [sflag:s30], $0x80  }
0x16e: {  	[sflag:s30] =	ssyncset.done $0x0  }
0x16f: {  	[sflag:s30] =	ssyncadd.s32 $0xFFFFFF80  }
0x170: {  	_ =	swait.ge [sflag:s30], $0x80  }
0x171: {  	[sflag:s30] =	ssyncset.done $0x0  }
0x172: {  	[sflag:s30] =	ssyncadd.s32 $0xFFFFFF80  }
0x173: {  	_ =	swait.ge [sflag:s30], $0x80  }
0x174: {  	[sflag:s30] =	ssyncset.done $0x0  }
0x175: {  	[sflag:s30] =	ssyncadd.s32 $0xFFFFFF80  }
0x176: {  	_ =	swait.ge [sflag:s30], $0x80  }
0x177: {  	[sflag:s30] =	ssyncset.done $0x0  }
0x178: {  	[sflag:s30] =	ssyncadd.s32 $0xFFFFFF80  }
0x179: {  	_ =	swait.ge [sflag:s30], $0x80  }
0x17a: {  	[sflag:s30] =	ssyncset.done $0x0  }
0x17b: {  	[sflag:s30] =	ssyncadd.s32 $0xFFFFFF80  }
0x17c: {  	_ =	swait.ge [sflag:s30], $0x80  }
0x17d: {  	[sflag:s30] =	ssyncset.done $0x0  }
0x17e: {  	[sflag:s30] =	ssyncadd.s32 $0xFFFFFF80  }
0x17f: {  	_ =	swait.ge [sflag:s30], $0x80  }
0x180: {  	[sflag:s30] =	ssyncset.done $0x0  }
0x181: {  	[sflag:s30] =	ssyncadd.s32 $0xFFFFFF80  }
0x182: {  	[tilespmem:s31], [sflag:$0x2] =	stream.indirect.gather [hbm4b:s3+s8], $0x40, s25, s8, $0xb8;
	[tilespmem:$0x1D300] =	vst v63  }
0x183: {  	_ = 	snop  }
0x184: {  	[tilespmem:s0], [sflag:$0x2] =	stream.indirect.gather [hbm4b:s4+s8], $0x40, s13, s8, $0xb8;
	[tilespmem:$0x1D300] =	vst v63  }
0x185: {  	_ = 	snop  }
0x186: {  	[tilespmem:s1], [sflag:$0x2] =	stream.indirect.gather [hbm4b:s4+s8], $0x40, s22, s8, $0xb8;
	[tilespmem:$0x1D300] =	vst v63  }
0x187: {  	_ = 	snop  }
0x188: {  	[tilespmem:s5], [sflag:$0x2] =	stream.indirect.gather [hbm4b:s4+s8], $0x40, s23, s8, $0xb8;
	[tilespmem:$0x1D300] =	vst v63  }
0x189: {  	_ = 	snop  }
0x18a: {  	[tilespmem:s7], [sflag:$0x2] =	stream.indirect.gather [hbm4b:s4+s8], $0x40, s26, s8, $0xb8;
	[tilespmem:$0x1D300] =	vst v63  }
0x18b: {  	_ = 	snop  }
0x18c: {  	[tilespmem:s6], [sflag:$0x2] =	stream.indirect.gather [hbm4b:s4+s8], $0x40, s28, s8, $0xb8;
	[tilespmem:$0x1D300] =	vst v63  }
0x18d: {  	_ = 	snop  }
0x18e: {  	[tilespmem:s9], [sflag:$0x2] =	stream.indirect.gather [hbm4b:s4+s8], $0x40, s29, s8, $0xb8;
	[tilespmem:$0x1D300] =	vst v63  }
0x18f: {  	_ =	swait.ge [sflag:s14], $0x2000  }
0x190: {  	[sflag:s14] =	ssyncset.done $0x0  }
0x191: {  	[sflag:s14] =	ssyncadd.s32 $0xFFFFE000  }
0x192: {  	_ =	swait.ge [sflag:s14], $0x2000  }
0x193: {  	[sflag:s14] =	ssyncset.done $0x0  }
0x194: {  	[sflag:s14] =	ssyncadd.s32 $0xFFFFE000  }
0x195: {  	_ =	swait.ge [sflag:s14], $0x2000  }
0x196: {  	[sflag:s14] =	ssyncset.done $0x0  }
0x197: {  	[sflag:s14] =	ssyncadd.s32 $0xFFFFE000  }
0x198: {  	_ =	swait.ge [sflag:s14], $0x2000  }
0x199: {  	[sflag:s14] =	ssyncset.done $0x0  }
0x19a: {  	[sflag:s14] =	ssyncadd.s32 $0xFFFFE000  }
0x19b: {  	_ =	swait.ge [sflag:s14], $0x2000  }
0x19c: {  	[sflag:s14] =	ssyncset.done $0x0  }
0x19d: {  	[sflag:s14] =	ssyncadd.s32 $0xFFFFE000  }
0x19e: {  	_ =	swait.ge [sflag:s14], $0x2000  }
0x19f: {  	[sflag:s14] =	ssyncset.done $0x0  }
0x1a0: {  	[sflag:s14] =	ssyncadd.s32 $0xFFFFE000  }
0x1a1: {  	_ =	swait.ge [sflag:s14], $0x2000  }
0x1a2: {  	[sflag:s14] =	ssyncset.done $0x0  }
0x1a3: {  	s12 =	simm.s32 $0x0;
	[sflag:s14] =	ssyncadd.s32 $0xFFFFE000  }
.LBB2_10:
0x1a4: {  	s13 =	sshll.u32 s12, $0x4;
	v1 =	vmov s11  }
0x1a5: {  	v2 =	vmov s13;
	v1 =	vand.u32 $0x3E, v1  }
0x1a6: {  	v2 =	vshll.u32 v2, $0x6;
	v1 =	vbroadcast v1, $0x0  }
0x1a7: {  	v2 =	vor.u32 v0, v2  }
0x1a8: {  	v5 =	vor.u32 v2, v1;
	_ =	sdelay $0x1  }
0x1a9: {  	s22 =	simm.s32 $0x1  }
0x1aa: {  	v3 =	vmov s22  }
0x1ab: {  	v3 =	vand.u32 $0x3F, v3  }
0x1ac: {  	v3 =	vbroadcast v3, $0x0;
	v8 =	vld.idx.msk [tilespmem:v5+s18+$0x0], $0xffff  }
0x1ad: {  	v14 =	vld.idx.msk [tilespmem:v5+s21+$0x0], $0xffff  }
0x1ae: {  	v6 =	vor.u32 v2, v3;
	v11 =	vld.idx.msk [tilespmem:v5+s20+$0x0], $0xffff  }
0x1af: {  	v15 =	vld.idx.msk [tilespmem:v5+s19+$0x0], $0xffff  }
0x1b0: {  	s23 =	simm.s32 $0x2;
	v16 =	vld.idx.msk [tilespmem:v5+s15+$0x0], $0xffff  }
0x1b1: {  	s24 =	simm.s32 $0x3;
	v1 =	vmov s23;
	v13 =	vld.idx.msk [tilespmem:v5+s17+$0x0], $0xffff  }
0x1b2: {  	v1 =	vand.u32 $0x3E, v1;
	v3 =	vmov s24;
	v19 =	vld.idx.msk [tilespmem:v5+s16+$0x0], $0xffff  }
0x1b3: {  	v1 =	vbroadcast v1, $0x0;
	v3 =	vand.u32 $0x3F, v3;
	v9 =	vld.idx.msk [tilespmem:v6+s17+$0x0], $0xffff  }
0x1b4: {  	v3 =	vbroadcast v3, $0x0;
	v7 =	vld.idx.msk [tilespmem:v6+s15+$0x0], $0xffff  }
0x1b5: {  	v4 =	vor.u32 v2, v1;
	v12 =	vld.idx.msk [tilespmem:v6+s21+$0x0], $0xffff  }
0x1b6: {  	v1 =	vor.u32 v2, v3;
	v10 =	vld.idx.msk [tilespmem:v6+s16+$0x0], $0xffff  }
0x1b7: {  	v17 =	vld.idx.msk [tilespmem:v6+s20+$0x0], $0xffff  }
0x1b8: {  	v24 =	vld.idx.msk [tilespmem:v6+s19+$0x0], $0xffff;
	v20 =	vmul.f32 v8, v16  }
0x1b9: {  	v18 =	vld.idx.msk [tilespmem:v6+s18+$0x0], $0xffff;
	v22 =	vmul.f32 v13, v16;
	v21 =	vmul.f32 v19, v16  }
0x1ba: {  	v6 =	vld.idx.msk [tilespmem:v4+s18+$0x0], $0xffff;
	v25 =	vmul.f32 v11, v16;
	v3 =	vmul.f32 v12, v7  }
0x1bb: {  	v13 =	vimm.f32 $0.0e+00;
	v5 =	vld.idx.msk [tilespmem:v1+s17+$0x0], $0xffff;
	v8 =	vmul.f32 v10, v7;
	v10 =	vmul.f32 v9, v7  }
0x1bc: {  	v11 =	vld.idx.msk [tilespmem:v1+s16+$0x0], $0xffff;
	v19 =	vimm.f32 $0.0e+00;
	v9 =	vmul.f32 v15, v16;
	v17 =	vmul.f32 v17, v7  }
0x1bd: {  	v12 =	vld.idx.msk [tilespmem:v4+s21+$0x0], $0xffff;
	v24 =	vmul.f32 v24, v7;
	v15 =	vadd.f32 v22, v13;
	v22 =	vmul.f32 v14, v16  }
0x1be: {  	s22 =	simm.s32 $0x4;
	v16 =	vimm.f32 $0.0e+00;
	v14 =	vimm.f32 $0.0e+00;
	v23 =	vadd.f32 v9, v13;
	v9 =	vld.idx.msk [tilespmem:v1+s15+$0x0], $0xffff  }
.LBB2_11:
0x1bf: {  	v26 =	vmov s22;
	s23 =	sadd.s32 $0x1, s22;
	p0 =	slt.u32 s22, $0x3E;
	s22 =	sadd.s32 $0x2, s22;
	v27 =	vld.idx.msk [tilespmem:v4+s20+$0x0], $0xffff;
	v13 =	vadd.f32 v20, v13;
	v19 =	vadd.f32 v25, v19  }
0x1c0: {  	v7 =	vmul.f32 v18, v7;
	v20 =	vand.u32 $0x3E, v26;
	v25 =	vmov s23;
	v26 =	vld.idx.msk [tilespmem:v1+s21+$0x0], $0xffff  }
0x1c1: {  	v23 =	vadd.f32 v24, v23;
	v18 =	vbroadcast v20, $0x0;
	v20 =	vand.u32 $0x3F, v25;
	v25 =	vld.idx.msk [tilespmem:v4+s19+$0x0], $0xffff  }
0x1c2: {  	v16 =	vadd.f32 v21, v16;
	v13 =	vadd.f32 v7, v13;
	v28 =	vmovc v12;
	v20 =	vbroadcast v20, $0x0;
	v24 =	vld.idx.msk [tilespmem:v4+s15+$0x0], $0xffff  }
0x1c3: {  	v19 =	vadd.f32 v17, v19;
	v12 =	vor.u32 v2, v18;
	v21 =	vld.idx.msk [tilespmem:v4+s17+$0x0], $0xffff;
	v18 =	vadd.f32 v22, v14  }
0x1c4: {  	v15 =	vadd.f32 v10, v15;
	v16 =	vadd.f32 v8, v16;
	v22 =	vor.u32 v2, v20;
	v17 =	vld.idx.msk [tilespmem:v1+s20+$0x0], $0xffff  }
0x1c5: {  	v7 =	vmov v9;
	v29 =	vld.idx.msk [tilespmem:v4+s16+$0x0], $0xffff;
	v14 =	vadd.f32 v3, v18;
	v4 =	vmov v12  }
0x1c6: {  	v30 =	vld.idx.msk [tilespmem:v1+s19+$0x0], $0xffff  }
0x1c7: {  	v3 =	vmul.f32 v26, v7;
	v18 =	vld.idx.msk [tilespmem:v1+s18+$0x0], $0xffff;
	v1 =	vmov v22  }
.Ltmp4:
0x1c8: {  	v8 =	vmul.f32 v11, v7;
	v20 =	vmul.f32 v6, v24;
	v6 =	vld.idx.msk [tilespmem:v12+s18+$0x0], $0xffff;
	(pc) =	sbr.rel @p0 .LBB2_11-.Ltmp4, $4  }
0x1c9: {  	v10 =	vmul.f32 v5, v7;
	v9 =	vmul.f32 v21, v24;
	v5 =	vld.idx.msk [tilespmem:v22+s17+$0x0], $0xffff  }
0x1ca: {  	v26 =	vmul.f32 v25, v24;
	v17 =	vmul.f32 v17, v7;
	v12 =	vld.idx.msk [tilespmem:v12+s21+$0x0], $0xffff  }
0x1cb: {  	v25 =	vmul.f32 v27, v24;
	v21 =	vmul.f32 v29, v24;
	v15 =	vadd.f32 v9, v15;
	v11 =	vld.idx.msk [tilespmem:v22+s16+$0x0], $0xffff  }
0x1cc: {  	v23 =	vadd.f32 v26, v23;
	v9 =	vld.idx.msk [tilespmem:v22+s15+$0x0], $0xffff;
	v22 =	vmul.f32 v28, v24;
	v24 =	vmul.f32 v30, v7  }
0x1cd: {  	_ =	sdelay $0x3  }
0x1ce: {  	v2 =	vld.idx.msk [tilespmem:v4+s20+$0x0], $0xffff  }
0x1cf: {  	v26 =	vld.idx.msk [tilespmem:v4+s15+$0x0], $0xffff  }
0x1d0: {  	v27 =	vld.idx.msk [tilespmem:v4+s17+$0x0], $0xffff  }
0x1d1: {  	v13 =	vadd.f32 v20, v13;
	v19 =	vadd.f32 v25, v19;
	v50 =	vld.idx.msk [tilespmem:v4+s19+$0x0], $0xffff  }
0x1d2: {  	v7 =	vmul.f32 v18, v7;
	v16 =	vadd.f32 v21, v16;
	v52 =	vld.idx.msk [tilespmem:v4+s16+$0x0], $0xffff;
	v10 =	vadd.f32 v10, v15  }
0x1d3: {  	v51 =	vadd.f32 v24, v23;
	v53 =	vadd.f32 v22, v14  }
0x1d4: {  	v55 =	vld.idx.msk [tilespmem:v1+s18+$0x0], $0xffff;
	v7 =	vadd.f32 v7, v13;
	v17 =	vadd.f32 v17, v19;
	v11 =	vmul.f32 v11, v9  }
0x1d5: {  	v54 =	vld.idx.msk [tilespmem:v1+s19+$0x0], $0xffff;
	v8 =	vadd.f32 v8, v16;
	v5 =	vmul.f32 v5, v9;
	v56 =	vmul.f32 v27, v26  }
0x1d6: {  	v57 =	vld.idx.msk [tilespmem:v1+s20+$0x0], $0xffff;
	v3 =	vadd.f32 v3, v53;
	v6 =	vmul.f32 v6, v26;
	v58 =	vmul.f32 v50, v26  }
0x1d7: {  	v1 =	vld.idx.msk [tilespmem:v1+s21+$0x0], $0xffff;
	v4 =	vmul.f32 v52, v26;
	v2 =	vmul.f32 v2, v26;
	v10 =	vadd.f32 v56, v10  }
0x1d8: {  	v60 =	vmul.f32 v12, v26;
	v13 =	vadd.f32 v58, v51;
	v6 =	vadd.f32 v6, v7  }
0x1d9: {  	v59 =	vmul.f32 v55, v9;
	v2 =	vadd.f32 v2, v17;
	v4 =	vadd.f32 v4, v8  }
0x1da: {  	v14 =	vmul.f32 v54, v9;
	v3 =	vadd.f32 v60, v3;
	v5 =	vadd.f32 v5, v10  }
0x1db: {  	v62 =	vmul.f32 v57, v9;
	v6 =	vadd.f32 v59, v6;
	v4 =	vadd.f32 v11, v4  }
0x1dc: {  	s12 =	sadd.s32 $0x1, s12;
	v1 =	vmul.f32 v1, v9;
	v61 =	vadd.f32 v14, v13;
	v5 =	vsub.f32 $0.0e+00, v5  }
0x1dd: {  	p0 =	sne.s32 s12, $0x8;
	v2 =	vadd.f32 v62, v2;
	[tilespmem:s13+$0x1C800] =	vst v4;
	v63 =	vsub.f32 $0.0e+00, v6  }
.Ltmp5:
0x1de: {  	v1 =	vadd.f32 v1, v3;
	v3 =	vsub.f32 $0.0e+00, v61;
	[tilespmem:s13+$0x1CA00] =	vst v5;
	(pc) =	sbr.rel @p0 .LBB2_10-.Ltmp5, $4  }
0x1df: {  	v2 =	vsub.f32 $0.0e+00, v2;
	[tilespmem:s13+$0x1CC00] =	vst v63  }
0x1e0: {  	v1 =	vsub.f32 $0.0e+00, v1;
	[tilespmem:s13+$0x1CE00] =	vst v3  }
0x1e1: {  	[tilespmem:s13+$0x1D000] =	vst v2  }
0x1e2: {  	[tilespmem:s13+$0x1D200] =	vst v1  }
0x1e3: {  	_ =	swait.ge [sflag:s30], $0x2000  }
0x1e4: {  	[sflag:s30] =	ssyncset.done $0x0  }
0x1e5: {  	[sflag:s30] =	ssyncadd.s32 $0xFFFFE000  }
0x1e6: {  	_ =	swait.ge [sflag:s30], $0x2000  }
0x1e7: {  	[sflag:s30] =	ssyncset.done $0x0  }
0x1e8: {  	[sflag:s30] =	ssyncadd.s32 $0xFFFFE000  }
0x1e9: {  	_ =	swait.ge [sflag:s30], $0x2000  }
0x1ea: {  	[sflag:s30] =	ssyncset.done $0x0  }
0x1eb: {  	[sflag:s30] =	ssyncadd.s32 $0xFFFFE000  }
0x1ec: {  	_ =	swait.ge [sflag:s30], $0x2000  }
0x1ed: {  	[sflag:s30] =	ssyncset.done $0x0  }
0x1ee: {  	[sflag:s30] =	ssyncadd.s32 $0xFFFFE000  }
0x1ef: {  	_ =	swait.ge [sflag:s30], $0x2000  }
0x1f0: {  	[sflag:s30] =	ssyncset.done $0x0  }
0x1f1: {  	[sflag:s30] =	ssyncadd.s32 $0xFFFFE000  }
0x1f2: {  	_ =	swait.ge [sflag:s30], $0x2000  }
0x1f3: {  	[sflag:s30] =	ssyncset.done $0x0  }
0x1f4: {  	[sflag:s30] =	ssyncadd.s32 $0xFFFFE000  }
0x1f5: {  	_ =	swait.ge [sflag:s30], $0x2000  }
0x1f6: {  	[sflag:s30] =	ssyncset.done $0x0  }
0x1f7: {  	s11 =	simm.s32 $0x0;
	s12 =	simm.s32 $0x0;
	[sflag:s30] =	ssyncadd.s32 $0xFFFFE000  }
.LBB2_14:
0x1f8: {  	s13 =	sshll.u32 s12, $0x4;
	v1 =	vmov s11  }
0x1f9: {  	v2 =	vmov s13;
	v1 =	vand.u32 $0x3E, v1  }
0x1fa: {  	v2 =	vshll.u32 v2, $0x6;
	v1 =	vbroadcast v1, $0x0  }
0x1fb: {  	v2 =	vor.u32 v0, v2  }
0x1fc: {  	v5 =	vor.u32 v2, v1;
	_ =	sdelay $0x1  }
0x1fd: {  	s22 =	simm.s32 $0x1  }
0x1fe: {  	v3 =	vmov s22  }
0x1ff: {  	v3 =	vand.u32 $0x3F, v3  }
0x200: {  	v3 =	vbroadcast v3, $0x0;
	v8 =	vld.idx.msk [tilespmem:v5+s5+$0x0], $0xffff  }
0x201: {  	v14 =	vld.idx.msk [tilespmem:v5+s9+$0x0], $0xffff  }
0x202: {  	v6 =	vor.u32 v2, v3;
	v11 =	vld.idx.msk [tilespmem:v5+s6+$0x0], $0xffff  }
0x203: {  	v15 =	vld.idx.msk [tilespmem:v5+s7+$0x0], $0xffff  }
0x204: {  	s23 =	simm.s32 $0x2;
	v16 =	vld.idx.msk [tilespmem:v5+s31+$0x0], $0xffff  }
0x205: {  	s24 =	simm.s32 $0x3;
	v1 =	vmov s23;
	v13 =	vld.idx.msk [tilespmem:v5+s1+$0x0], $0xffff  }
0x206: {  	v1 =	vand.u32 $0x3E, v1;
	v3 =	vmov s24;
	v19 =	vld.idx.msk [tilespmem:v5+s0+$0x0], $0xffff  }
0x207: {  	v1 =	vbroadcast v1, $0x0;
	v3 =	vand.u32 $0x3F, v3;
	v9 =	vld.idx.msk [tilespmem:v6+s1+$0x0], $0xffff  }
0x208: {  	v3 =	vbroadcast v3, $0x0;
	v7 =	vld.idx.msk [tilespmem:v6+s31+$0x0], $0xffff  }
0x209: {  	v4 =	vor.u32 v2, v1;
	v12 =	vld.idx.msk [tilespmem:v6+s9+$0x0], $0xffff  }
0x20a: {  	v1 =	vor.u32 v2, v3;
	v10 =	vld.idx.msk [tilespmem:v6+s0+$0x0], $0xffff  }
0x20b: {  	v17 =	vld.idx.msk [tilespmem:v6+s6+$0x0], $0xffff  }
0x20c: {  	v24 =	vld.idx.msk [tilespmem:v6+s7+$0x0], $0xffff;
	v20 =	vmul.f32 v8, v16  }
0x20d: {  	v18 =	vld.idx.msk [tilespmem:v6+s5+$0x0], $0xffff;
	v22 =	vmul.f32 v13, v16;
	v21 =	vmul.f32 v19, v16  }
0x20e: {  	v6 =	vld.idx.msk [tilespmem:v4+s5+$0x0], $0xffff;
	v25 =	vmul.f32 v11, v16;
	v3 =	vmul.f32 v12, v7  }
0x20f: {  	v13 =	vimm.f32 $0.0e+00;
	v5 =	vld.idx.msk [tilespmem:v1+s1+$0x0], $0xffff;
	v8 =	vmul.f32 v10, v7;
	v10 =	vmul.f32 v9, v7  }
0x210: {  	v11 =	vld.idx.msk [tilespmem:v1+s0+$0x0], $0xffff;
	v19 =	vimm.f32 $0.0e+00;
	v9 =	vmul.f32 v15, v16;
	v17 =	vmul.f32 v17, v7  }
0x211: {  	v12 =	vld.idx.msk [tilespmem:v4+s9+$0x0], $0xffff;
	v24 =	vmul.f32 v24, v7;
	v15 =	vadd.f32 v22, v13;
	v22 =	vmul.f32 v14, v16  }
0x212: {  	s22 =	simm.s32 $0x4;
	v16 =	vimm.f32 $0.0e+00;
	v14 =	vimm.f32 $0.0e+00;
	v23 =	vadd.f32 v9, v13;
	v9 =	vld.idx.msk [tilespmem:v1+s31+$0x0], $0xffff  }
.LBB2_15:
0x213: {  	v26 =	vmov s22;
	s23 =	sadd.s32 $0x1, s22;
	p0 =	slt.u32 s22, $0x3E;
	s22 =	sadd.s32 $0x2, s22;
	v27 =	vld.idx.msk [tilespmem:v4+s6+$0x0], $0xffff;
	v13 =	vadd.f32 v20, v13;
	v19 =	vadd.f32 v25, v19  }
0x214: {  	v7 =	vmul.f32 v18, v7;
	v20 =	vand.u32 $0x3E, v26;
	v25 =	vmov s23;
	v26 =	vld.idx.msk [tilespmem:v1+s9+$0x0], $0xffff  }
0x215: {  	v23 =	vadd.f32 v24, v23;
	v18 =	vbroadcast v20, $0x0;
	v20 =	vand.u32 $0x3F, v25;
	v25 =	vld.idx.msk [tilespmem:v4+s7+$0x0], $0xffff  }
0x216: {  	v16 =	vadd.f32 v21, v16;
	v13 =	vadd.f32 v7, v13;
	v28 =	vmovc v12;
	v20 =	vbroadcast v20, $0x0;
	v24 =	vld.idx.msk [tilespmem:v4+s31+$0x0], $0xffff  }
0x217: {  	v19 =	vadd.f32 v17, v19;
	v12 =	vor.u32 v2, v18;
	v21 =	vld.idx.msk [tilespmem:v4+s1+$0x0], $0xffff;
	v18 =	vadd.f32 v22, v14  }
0x218: {  	v15 =	vadd.f32 v10, v15;
	v16 =	vadd.f32 v8, v16;
	v22 =	vor.u32 v2, v20;
	v17 =	vld.idx.msk [tilespmem:v1+s6+$0x0], $0xffff  }
0x219: {  	v7 =	vmov v9;
	v29 =	vld.idx.msk [tilespmem:v4+s0+$0x0], $0xffff;
	v14 =	vadd.f32 v3, v18;
	v4 =	vmov v12  }
0x21a: {  	v30 =	vld.idx.msk [tilespmem:v1+s7+$0x0], $0xffff  }
0x21b: {  	v3 =	vmul.f32 v26, v7;
	v18 =	vld.idx.msk [tilespmem:v1+s5+$0x0], $0xffff;
	v1 =	vmov v22  }
.Ltmp6:
0x21c: {  	v8 =	vmul.f32 v11, v7;
	v20 =	vmul.f32 v6, v24;
	v6 =	vld.idx.msk [tilespmem:v12+s5+$0x0], $0xffff;
	(pc) =	sbr.rel @p0 .LBB2_15-.Ltmp6, $4  }
0x21d: {  	v10 =	vmul.f32 v5, v7;
	v9 =	vmul.f32 v21, v24;
	v5 =	vld.idx.msk [tilespmem:v22+s1+$0x0], $0xffff  }
0x21e: {  	v26 =	vmul.f32 v25, v24;
	v17 =	vmul.f32 v17, v7;
	v12 =	vld.idx.msk [tilespmem:v12+s9+$0x0], $0xffff  }
0x21f: {  	v25 =	vmul.f32 v27, v24;
	v21 =	vmul.f32 v29, v24;
	v15 =	vadd.f32 v9, v15;
	v11 =	vld.idx.msk [tilespmem:v22+s0+$0x0], $0xffff  }
0x220: {  	v23 =	vadd.f32 v26, v23;
	v9 =	vld.idx.msk [tilespmem:v22+s31+$0x0], $0xffff;
	v22 =	vmul.f32 v28, v24;
	v24 =	vmul.f32 v30, v7  }
0x221: {  	_ =	sdelay $0x3  }
0x222: {  	v2 =	vld.idx.msk [tilespmem:v4+s6+$0x0], $0xffff  }
0x223: {  	v26 =	vld.idx.msk [tilespmem:v4+s31+$0x0], $0xffff  }
0x224: {  	v27 =	vld.idx.msk [tilespmem:v4+s1+$0x0], $0xffff  }
0x225: {  	v13 =	vadd.f32 v20, v13;
	v19 =	vadd.f32 v25, v19;
	v50 =	vld.idx.msk [tilespmem:v4+s7+$0x0], $0xffff  }
0x226: {  	v7 =	vmul.f32 v18, v7;
	v16 =	vadd.f32 v21, v16;
	v52 =	vld.idx.msk [tilespmem:v4+s0+$0x0], $0xffff;
	v10 =	vadd.f32 v10, v15  }
0x227: {  	v51 =	vadd.f32 v24, v23;
	v53 =	vadd.f32 v22, v14  }
0x228: {  	v55 =	vld.idx.msk [tilespmem:v1+s5+$0x0], $0xffff;
	v7 =	vadd.f32 v7, v13;
	v17 =	vadd.f32 v17, v19;
	v11 =	vmul.f32 v11, v9  }
0x229: {  	v54 =	vld.idx.msk [tilespmem:v1+s7+$0x0], $0xffff;
	v8 =	vadd.f32 v8, v16;
	v5 =	vmul.f32 v5, v9;
	v56 =	vmul.f32 v27, v26  }
0x22a: {  	v57 =	vld.idx.msk [tilespmem:v1+s6+$0x0], $0xffff;
	v3 =	vadd.f32 v3, v53;
	v6 =	vmul.f32 v6, v26;
	v58 =	vmul.f32 v50, v26  }
0x22b: {  	v1 =	vld.idx.msk [tilespmem:v1+s9+$0x0], $0xffff;
	v4 =	vmul.f32 v52, v26;
	v2 =	vmul.f32 v2, v26;
	v10 =	vadd.f32 v56, v10  }
0x22c: {  	v60 =	vmul.f32 v12, v26;
	v13 =	vadd.f32 v58, v51;
	v6 =	vadd.f32 v6, v7  }
0x22d: {  	v59 =	vmul.f32 v55, v9;
	v2 =	vadd.f32 v2, v17;
	v4 =	vadd.f32 v4, v8  }
0x22e: {  	v14 =	vmul.f32 v54, v9;
	v3 =	vadd.f32 v60, v3;
	v5 =	vadd.f32 v5, v10  }
0x22f: {  	v62 =	vmul.f32 v57, v9;
	v6 =	vadd.f32 v59, v6;
	v4 =	vadd.f32 v11, v4  }
0x230: {  	s12 =	sadd.s32 $0x1, s12;
	v1 =	vmul.f32 v1, v9;
	v61 =	vadd.f32 v14, v13;
	v5 =	vsub.f32 $0.0e+00, v5  }
0x231: {  	p0 =	sne.s32 s12, $0x8;
	v2 =	vadd.f32 v62, v2;
	[tilespmem:s13+$0x1C880] =	vst v4;
	v63 =	vsub.f32 $0.0e+00, v6  }
.Ltmp7:
0x232: {  	v1 =	vadd.f32 v1, v3;
	v3 =	vsub.f32 $0.0e+00, v61;
	[tilespmem:s13+$0x1CA80] =	vst v5;
	(pc) =	sbr.rel @p0 .LBB2_14-.Ltmp7, $4  }
0x233: {  	v2 =	vsub.f32 $0.0e+00, v2;
	[tilespmem:s13+$0x1CC80] =	vst v63  }
0x234: {  	v1 =	vsub.f32 $0.0e+00, v1;
	[tilespmem:s13+$0x1CE80] =	vst v3  }
0x235: {  	[tilespmem:s13+$0x1D080] =	vst v2  }
0x236: {  	[tilespmem:s13+$0x1D280] =	vst v1  }
0x237: {  	s11 =	rddreg [dreg:$0x17];
	s12 =	simm.s32 $0x1C700;
	s23 =	simm.s32 $0x3  }
0x238: {  	[hbm4b:s11+s2] =	stream.linear.scatter [tilespmem:s12], [sflag:$0x3], $0xC00, $0x38;
	[tilespmem:$0x1D300] =	vst v63  }
0x239: {  	_ =	swait.ge [sflag:s23], $0xC00  }
0x23a: {  	s10 =	sadd.s32 $0x1, s10;
	s24 =	rddreg [dreg:$0x18]  }
0x23b: {  	p0 =	sne.s32 s10, s24  }
.Ltmp8:
0x23c: {  	_ = 	snop;
	(pc) =	sbr.rel @p0 .LBB2_1-.Ltmp8, $3  }
0x23d: {  	_ =	sdelay $0x1  }
0x23e: {  	[sflag:s23] =	ssyncset.done $0x0  }
0x23f: {  	[sflag:s23] =	ssyncadd.s32 $0xFFFFF400;
	s23 =	simm.s32 $0x100  }
0x240: {  	_ =	sfence.sel $0x180000  }
0x241: {  	[bflag:$0x0] =	sbarrier.arrive $0xFFFF  }
0x242: {  	_ =	strace $0x90000047  }
0x243: {  	s0 =	stileid.u32;
	[bflag:$0x2] =	sbarrier.arrive $0xFFFF  }
0x244: {  	p0 =	sne.s32 s0, $0x0;
	s0 =	rddreg [dreg:$0x3]  }
0x245: {  	s0 =	sadd.s32 @!p0 $0x100000, s0  }
0x246: {  	[sflag:s0] =	ssyncadd.tile.s32 @!p0 $0x1;
	_ =	shalt  }
.Lfunc_end2:
_tile_overlayer_lowered:
.L_overlay_start_2:
0x247: {  	(tag) =	ssettag $0x2  }
0x248: {  	s0 =	rddreg [dreg:$0x0];
	s2 =	stileid.u32  }
0x249: {  	s1 =	rddreg [dreg:$0x1];
	p0 =	sne.s32 s2, $0x0  }
0x24a: {  	s3 =	rddreg [dreg:$0x2];
	[bflag:$0x3] =	sbarrier.arrive $0xFFFF;
	s2 =	simm.s32 @!p0 $0x1C03  }
0x24b: {  	[timem:s3], [sflag:s2] =	dma.local @!p0 [hbm:s0], s1  }
0x24c: {  	s0 =	simm.s32 @!p0 $0x3  }
0x24d: {  	_ =	swait.ge @!p0 [sflag:s0], s1  }
0x24e: {  	s1 =	ssub.s32 @!p0 $0x0, s1;
	[sflag:s0] =	ssyncset.done @!p0 $0x0  }
0x24f: {  	[sflag:s0] =	ssyncadd.s32 @!p0 s1  }
0x250: {  	[bflag:$0x3] =	sbarrier.arrive $0xFFFF  }
0x251: {  	_ =	shalt  }

</sc_bundles>
